<compile_context>
chip_gen: v7x
topology: tpu7x:2x2x1
jax: 0.10.2.dev20260603
libtpu: 0.0.44.dev20260713+nightly
codegen_flags: <defaults>
</compile_context>

<pallas_src>
import jax
import jax.numpy as jnp
from jax import lax
from jax.experimental import pallas as pl
from jax.experimental.pallas import tpu as pltpu
from jax.experimental.pallas import tpu_sc as plsc

NUM_EMB = 100000
DIM = 128
SEQS = 4096
SEQ_LEN = 50
BATCH = SEQS * SEQ_LEN
NUM_CORES = 2
NUM_SUBCORES = 16
NUM_WORKERS = NUM_CORES * NUM_SUBCORES
B_PER_W = BATCH // NUM_WORKERS
CHUNK = 400
N_CHUNKS = B_PER_W // CHUNK


def _emb_body(table_hbm, idx_hbm, out_hbm,
              idx_all, rows0, rows1, g0, g1, s0, s1):
    wid = lax.axis_index("s") * NUM_CORES + lax.axis_index("c")
    base = wid * B_PER_W

    rows = (rows0, rows1)
    gsem = (g0, g1)
    ssem = (s0, s1)

    pltpu.sync_copy(idx_hbm.at[pl.ds(base, B_PER_W)], idx_all)

    def gather(i, b):
        return pltpu.async_copy(
            table_hbm.at[idx_all.at[pl.ds(i * CHUNK, CHUNK)]], rows[b], gsem[b])

    gath = gather(0, 0)
    scat = [None, None]
    for i in range(N_CHUNKS):
        b = i % 2
        nb = 1 - b
        gath.wait()
        scat[b] = pltpu.async_copy(
            rows[b], out_hbm.at[pl.ds(base + i * CHUNK, CHUNK)], ssem[b])
        if i + 1 < N_CHUNKS:
            if scat[nb] is not None:
                scat[nb].wait()
            gath = gather(i + 1, nb)
    scat[0].wait()
    scat[1].wait()


@jax.jit
def _embed(table, idx):
    mesh = plsc.VectorSubcoreMesh(core_axis_name="c", subcore_axis_name="s")
    return pl.kernel(
        _emb_body,
        mesh=mesh,
        out_type=jax.ShapeDtypeStruct((BATCH, DIM), jnp.float32),
        scratch_types=[
            pltpu.VMEM((B_PER_W,), jnp.int32),
            pltpu.VMEM((CHUNK, DIM), jnp.float32),
            pltpu.VMEM((CHUNK, DIM), jnp.float32),
            pltpu.SemaphoreType.DMA,
            pltpu.SemaphoreType.DMA,
            pltpu.SemaphoreType.DMA,
            pltpu.SemaphoreType.DMA,
        ],
    )(table, idx)


def kernel(token_ids, embedding_matrix):
    idx = token_ids.T.reshape(-1).astype(jnp.int32)
    out = _embed(embedding_matrix, idx)
    return out.reshape(SEQ_LEN, SEQS, DIM).swapaxes(0, 1)

# --- scband reference (transcript-rebuilt; emitter-appended) ---
"""Pipeline reference for scband-embedding-71124658421932 (READ-ONLY COPY).

The authoritative reference and input builder live on the scoring server;
editing this copy changes nothing except your own understanding.
"""

import jax, jax.numpy as jnp
import numpy as np

NUM_EMBEDDINGS = 100000
EMBEDDING_DIM = 128


def setup_inputs(seed: int = 0) -> dict:
    key = jax.random.key(seed)
    k_idx, k_w = jax.random.split(key)
    token_ids = jax.random.randint(k_idx, (4096, 50), 0, NUM_EMBEDDINGS, dtype=jnp.int64 if jax.config.jax_enable_x64 else jnp.int32)
    # trunc_normal_(a=-3, b=3) approximated via clipped standard normal
    embedding_matrix = jnp.clip(jax.random.normal(k_w, (NUM_EMBEDDINGS, EMBEDDING_DIM), dtype=jnp.float32), -3.0, 3.0)
    return {"token_ids": token_ids, "embedding_matrix": embedding_matrix}


def reference(token_ids, embedding_matrix):
    # Faithful translation of: self.embedding_matrix[token_ids]
    return jnp.take(embedding_matrix, token_ids, axis=0)

if __name__ == "__main__":
    import jax
    _d = setup_inputs()
    print(jax.jit(kernel)(*tuple(_d.values())))

</pallas_src>

<mosaic_0001>
#map = affine_map<(d0, d1) -> (0, 0)>
#map1 = affine_map<(d0, d1) -> (0)>
module attributes {stable_mosaic.version = 14 : i64} {
  func.func @_emb_body(%arg0: i32, %arg1: i32, %arg2: memref<100000x128xf32, #tpu.memory_space<hbm>>, %arg3: memref<204800xi32, #tpu.memory_space<hbm>>, %arg4: memref<204800x128xf32, #tpu.memory_space<hbm>>, %arg5: memref<6400xi32, #tpu.memory_space<vmem>>, %arg6: memref<400x128xf32, #tpu.memory_space<vmem>>, %arg7: memref<400x128xf32, #tpu.memory_space<vmem>>, %arg8: memref<!tpu.dma_semaphore, #tpu.memory_space<semaphore_mem>>, %arg9: memref<!tpu.dma_semaphore, #tpu.memory_space<semaphore_mem>>, %arg10: memref<!tpu.dma_semaphore, #tpu.memory_space<semaphore_mem>>, %arg11: memref<!tpu.dma_semaphore, #tpu.memory_space<semaphore_mem>>) attributes {dimension_semantics = [#tpu.dimension_semantics<core_parallel>, #tpu.dimension_semantics<subcore_parallel>], iteration_bounds = array<i64: 2, 16>, scalar_prefetch = 0 : i64, scratch_operands = 7 : i64, tpu.core_type = #tpu.core_type<sc_vector_subcore>, window_params = [{transform_indices = #map}, {transform_indices = #map1}, {transform_indices = #map}]} {
    %mul3A = arith.constant 2 : i32
    %mul3A_0 = arith.muli %arg1, %mul3A : i32
    %add3A = arith.addi %mul3A_0, %arg0 : i32
    %mul3A_1 = arith.constant 6400 : i32
    %mul3A_2 = arith.muli %add3A, %mul3A_1 : i32
    "tpu.region"() ({
      %run_scoped3A = tpu.sem_alloc : memref<!tpu.dma_semaphore, #tpu.memory_space<semaphore_mem>>
      %dma_start3A_321 = tpu.memref_slice %arg3[%mul3A_2] : memref<204800xi32, #tpu.memory_space<hbm>> -> memref<6400xi32, #tpu.memory_space<hbm>>
      %dma_start3A_322 = tpu.memref_slice %arg3[%mul3A_2] : memref<204800xi32, #tpu.memory_space<hbm>> -> memref<6400xi32, #tpu.memory_space<hbm>>
      tpu.enqueue_dma source(%dma_start3A_322 : memref<6400xi32, #tpu.memory_space<hbm>>) target(%arg5 : memref<6400xi32, #tpu.memory_space<vmem>>) target_semaphore(%run_scoped3A : memref<!tpu.dma_semaphore, #tpu.memory_space<semaphore_mem>>)
      %dma_wait3A_323 = tpu.memref_slice %arg3[%mul3A_2] : memref<204800xi32, #tpu.memory_space<hbm>> -> memref<6400xi32, #tpu.memory_space<hbm>>
      %dma_wait3A_324 = tpu.memref_slice %arg3[%mul3A_2] : memref<204800xi32, #tpu.memory_space<hbm>> -> memref<6400xi32, #tpu.memory_space<hbm>>
      tpu.wait_dma2 semaphore(%run_scoped3A : memref<!tpu.dma_semaphore, #tpu.memory_space<semaphore_mem>>) src(%dma_wait3A_324 : memref<6400xi32, #tpu.memory_space<hbm>>) dst(%arg5 : memref<6400xi32, #tpu.memory_space<vmem>>)
      tpu.yield
    }) : () -> ()
    %dma_start3A = arith.constant 0 : i32
    %dma_start3A_3 = tpu.memref_slice %arg5[%dma_start3A] : memref<6400xi32, #tpu.memory_space<vmem>> -> memref<400xi32, #tpu.memory_space<vmem>>
    %dma_start3A_4 = arith.constant 0 : i32
    %dma_start3A_5 = arith.constant 0 : i32
    %dma_start3A_6 = tpu.memref_slice %arg2[%dma_start3A_4, %dma_start3A_5] : memref<100000x128xf32, #tpu.memory_space<hbm>> -> memref<100000x128xf32, #tpu.memory_space<hbm>>
    tpu.enqueue_indirect_dma source(%dma_start3A_6 : memref<100000x128xf32, #tpu.memory_space<hbm>>) target(%arg6 : memref<400x128xf32, #tpu.memory_space<vmem>>) offsets(%dma_start3A_3 : memref<400xi32, #tpu.memory_space<vmem>>) semaphore(%arg8 : memref<!tpu.dma_semaphore, #tpu.memory_space<semaphore_mem>>)
    %dma_wait3A = arith.constant 0 : i32
    %dma_wait3A_7 = tpu.memref_slice %arg5[%dma_wait3A] : memref<6400xi32, #tpu.memory_space<vmem>> -> memref<400xi32, #tpu.memory_space<vmem>>
    %dma_wait3A_8 = arith.constant 0 : i32
    %dma_wait3A_9 = arith.constant 0 : i32
    %dma_wait3A_10 = tpu.memref_slice %arg2[%dma_wait3A_8, %dma_wait3A_9] : memref<100000x128xf32, #tpu.memory_space<hbm>> -> memref<100000x128xf32, #tpu.memory_space<hbm>>
    tpu.wait_indirect_dma semaphore(%arg8 : memref<!tpu.dma_semaphore, #tpu.memory_space<semaphore_mem>>) src(%dma_wait3A_10 : memref<100000x128xf32, #tpu.memory_space<hbm>>) dst(%arg6 : memref<400x128xf32, #tpu.memory_space<vmem>>)
    %add3A_11 = arith.constant 0 : i32
    %add3A_12 = arith.addi %mul3A_2, %add3A_11 : i32
    %dma_start3A_13 = arith.constant 0 : i32
    %dma_start3A_14 = tpu.memref_slice %arg4[%add3A_12, %dma_start3A_13] : memref<204800x128xf32, #tpu.memory_space<hbm>> -> memref<400x128xf32, #tpu.memory_space<hbm>>
    %dma_start3A_15 = arith.constant 0 : i32
    %dma_start3A_16 = tpu.memref_slice %arg4[%add3A_12, %dma_start3A_15] : memref<204800x128xf32, #tpu.memory_space<hbm>> -> memref<400x128xf32, #tpu.memory_space<hbm>>
    tpu.enqueue_dma source(%arg6 : memref<400x128xf32, #tpu.memory_space<vmem>>) target(%dma_start3A_16 : memref<400x128xf32, #tpu.memory_space<hbm>>) target_semaphore(%arg10 : memref<!tpu.dma_semaphore, #tpu.memory_space<semaphore_mem>>)
    %dma_start3A_17 = arith.constant 400 : i32
    %dma_start3A_18 = tpu.memref_slice %arg5[%dma_start3A_17] : memref<6400xi32, #tpu.memory_space<vmem>> -> memref<400xi32, #tpu.memory_space<vmem>>
    %dma_start3A_19 = arith.constant 0 : i32
    %dma_start3A_20 = arith.constant 0 : i32
    %dma_start3A_21 = tpu.memref_slice %arg2[%dma_start3A_19, %dma_start3A_20] : memref<100000x128xf32, #tpu.memory_space<hbm>> -> memref<100000x128xf32, #tpu.memory_space<hbm>>
    tpu.enqueue_indirect_dma source(%dma_start3A_21 : memref<100000x128xf32, #tpu.memory_space<hbm>>) target(%arg7 : memref<400x128xf32, #tpu.memory_space<vmem>>) offsets(%dma_start3A_18 : memref<400xi32, #tpu.memory_space<vmem>>) semaphore(%arg9 : memref<!tpu.dma_semaphore, #tpu.memory_space<semaphore_mem>>)
    %dma_wait3A_22 = arith.constant 400 : i32
    %dma_wait3A_23 = tpu.memref_slice %arg5[%dma_wait3A_22] : memref<6400xi32, #tpu.memory_space<vmem>> -> memref<400xi32, #tpu.memory_space<vmem>>
    %dma_wait3A_24 = arith.constant 0 : i32
    %dma_wait3A_25 = arith.constant 0 : i32
    %dma_wait3A_26 = tpu.memref_slice %arg2[%dma_wait3A_24, %dma_wait3A_25] : memref<100000x128xf32, #tpu.memory_space<hbm>> -> memref<100000x128xf32, #tpu.memory_space<hbm>>
    tpu.wait_indirect_dma semaphore(%arg9 : memref<!tpu.dma_semaphore, #tpu.memory_space<semaphore_mem>>) src(%dma_wait3A_26 : memref<100000x128xf32, #tpu.memory_space<hbm>>) dst(%arg7 : memref<400x128xf32, #tpu.memory_space<vmem>>)
    %add3A_27 = arith.constant 400 : i32
    %add3A_28 = arith.addi %mul3A_2, %add3A_27 : i32
    %dma_start3A_29 = arith.constant 0 : i32
    %dma_start3A_30 = tpu.memref_slice %arg4[%add3A_28, %dma_start3A_29] : memref<204800x128xf32, #tpu.memory_space<hbm>> -> memref<400x128xf32, #tpu.memory_space<hbm>>
    %dma_start3A_31 = arith.constant 0 : i32
    %dma_start3A_32 = tpu.memref_slice %arg4[%add3A_28, %dma_start3A_31] : memref<204800x128xf32, #tpu.memory_space<hbm>> -> memref<400x128xf32, #tpu.memory_space<hbm>>
    tpu.enqueue_dma source(%arg7 : memref<400x128xf32, #tpu.memory_space<vmem>>) target(%dma_start3A_32 : memref<400x128xf32, #tpu.memory_space<hbm>>) target_semaphore(%arg11 : memref<!tpu.dma_semaphore, #tpu.memory_space<semaphore_mem>>)
    %dma_wait3A_33 = arith.constant 0 : i32
    %dma_wait3A_34 = tpu.memref_slice %arg4[%add3A_12, %dma_wait3A_33] : memref<204800x128xf32, #tpu.memory_space<hbm>> -> memref<400x128xf32, #tpu.memory_space<hbm>>
    %dma_wait3A_35 = arith.constant 0 : i32
    %dma_wait3A_36 = tpu.memref_slice %arg4[%add3A_12, %dma_wait3A_35] : memref<204800x128xf32, #tpu.memory_space<hbm>> -> memref<400x128xf32, #tpu.memory_space<hbm>>
    tpu.wait_dma2 semaphore(%arg10 : memref<!tpu.dma_semaphore, #tpu.memory_space<semaphore_mem>>) src(%arg6 : memref<400x128xf32, #tpu.memory_space<vmem>>) dst(%dma_wait3A_36 : memref<400x128xf32, #tpu.memory_space<hbm>>)
    %dma_start3A_37 = arith.constant 800 : i32
    %dma_start3A_38 = tpu.memref_slice %arg5[%dma_start3A_37] : memref<6400xi32, #tpu.memory_space<vmem>> -> memref<400xi32, #tpu.memory_space<vmem>>
    %dma_start3A_39 = arith.constant 0 : i32
    %dma_start3A_40 = arith.constant 0 : i32
    %dma_start3A_41 = tpu.memref_slice %arg2[%dma_start3A_39, %dma_start3A_40] : memref<100000x128xf32, #tpu.memory_space<hbm>> -> memref<100000x128xf32, #tpu.memory_space<hbm>>
    tpu.enqueue_indirect_dma source(%dma_start3A_41 : memref<100000x128xf32, #tpu.memory_space<hbm>>) target(%arg6 : memref<400x128xf32, #tpu.memory_space<vmem>>) offsets(%dma_start3A_38 : memref<400xi32, #tpu.memory_space<vmem>>) semaphore(%arg8 : memref<!tpu.dma_semaphore, #tpu.memory_space<semaphore_mem>>)
    %dma_wait3A_42 = arith.constant 800 : i32
    %dma_wait3A_43 = tpu.memref_slice %arg5[%dma_wait3A_42] : memref<6400xi32, #tpu.memory_space<vmem>> -> memref<400xi32, #tpu.memory_space<vmem>>
    %dma_wait3A_44 = arith.constant 0 : i32
    %dma_wait3A_45 = arith.constant 0 : i32
    %dma_wait3A_46 = tpu.memref_slice %arg2[%dma_wait3A_44, %dma_wait3A_45] : memref<100000x128xf32, #tpu.memory_space<hbm>> -> memref<100000x128xf32, #tpu.memory_space<hbm>>
    tpu.wait_indirect_dma semaphore(%arg8 : memref<!tpu.dma_semaphore, #tpu.memory_space<semaphore_mem>>) src(%dma_wait3A_46 : memref<100000x128xf32, #tpu.memory_space<hbm>>) dst(%arg6 : memref<400x128xf32, #tpu.memory_space<vmem>>)
    %add3A_47 = arith.constant 800 : i32
    %add3A_48 = arith.addi %mul3A_2, %add3A_47 : i32
    %dma_start3A_49 = arith.constant 0 : i32
    %dma_start3A_50 = tpu.memref_slice %arg4[%add3A_48, %dma_start3A_49] : memref<204800x128xf32, #tpu.memory_space<hbm>> -> memref<400x128xf32, #tpu.memory_space<hbm>>
    %dma_start3A_51 = arith.constant 0 : i32
    %dma_start3A_52 = tpu.memref_slice %arg4[%add3A_48, %dma_start3A_51] : memref<204800x128xf32, #tpu.memory_space<hbm>> -> memref<400x128xf32, #tpu.memory_space<hbm>>
    tpu.enqueue_dma source(%arg6 : memref<400x128xf32, #tpu.memory_space<vmem>>) target(%dma_start3A_52 : memref<400x128xf32, #tpu.memory_space<hbm>>) target_semaphore(%arg10 : memref<!tpu.dma_semaphore, #tpu.memory_space<semaphore_mem>>)
    %dma_wait3A_53 = arith.constant 0 : i32
    %dma_wait3A_54 = tpu.memref_slice %arg4[%add3A_28, %dma_wait3A_53] : memref<204800x128xf32, #tpu.memory_space<hbm>> -> memref<400x128xf32, #tpu.memory_space<hbm>>
    %dma_wait3A_55 = arith.constant 0 : i32
    %dma_wait3A_56 = tpu.memref_slice %arg4[%add3A_28, %dma_wait3A_55] : memref<204800x128xf32, #tpu.memory_space<hbm>> -> memref<400x128xf32, #tpu.memory_space<hbm>>
    tpu.wait_dma2 semaphore(%arg11 : memref<!tpu.dma_semaphore, #tpu.memory_space<semaphore_mem>>) src(%arg7 : memref<400x128xf32, #tpu.memory_space<vmem>>) dst(%dma_wait3A_56 : memref<400x128xf32, #tpu.memory_space<hbm>>)
    %dma_start3A_57 = arith.constant 1200 : i32
    %dma_start3A_58 = tpu.memref_slice %arg5[%dma_start3A_57] : memref<6400xi32, #tpu.memory_space<vmem>> -> memref<400xi32, #tpu.memory_space<vmem>>
    %dma_start3A_59 = arith.constant 0 : i32
    %dma_start3A_60 = arith.constant 0 : i32
    %dma_start3A_61 = tpu.memref_slice %arg2[%dma_start3A_59, %dma_start3A_60] : memref<100000x128xf32, #tpu.memory_space<hbm>> -> memref<100000x128xf32, #tpu.memory_space<hbm>>
    tpu.enqueue_indirect_dma source(%dma_start3A_61 : memref<100000x128xf32, #tpu.memory_space<hbm>>) target(%arg7 : memref<400x128xf32, #tpu.memory_space<vmem>>) offsets(%dma_start3A_58 : memref<400xi32, #tpu.memory_space<vmem>>) semaphore(%arg9 : memref<!tpu.dma_semaphore, #tpu.memory_space<semaphore_mem>>)
    %dma_wait3A_62 = arith.constant 1200 : i32
    %dma_wait3A_63 = tpu.memref_slice %arg5[%dma_wait3A_62] : memref<6400xi32, #tpu.memory_space<vmem>> -> memref<400xi32, #tpu.memory_space<vmem>>
    %dma_wait3A_64 = arith.constant 0 : i32
    %dma_wait3A_65 = arith.constant 0 : i32
    %dma_wait3A_66 = tpu.memref_slice %arg2[%dma_wait3A_64, %dma_wait3A_65] : memref<100000x128xf32, #tpu.memory_space<hbm>> -> memref<100000x128xf32, #tpu.memory_space<hbm>>
    tpu.wait_indirect_dma semaphore(%arg9 : memref<!tpu.dma_semaphore, #tpu.memory_space<semaphore_mem>>) src(%dma_wait3A_66 : memref<100000x128xf32, #tpu.memory_space<hbm>>) dst(%arg7 : memref<400x128xf32, #tpu.memory_space<vmem>>)
    %add3A_67 = arith.constant 1200 : i32
    %add3A_68 = arith.addi %mul3A_2, %add3A_67 : i32
    %dma_start3A_69 = arith.constant 0 : i32
    %dma_start3A_70 = tpu.memref_slice %arg4[%add3A_68, %dma_start3A_69] : memref<204800x128xf32, #tpu.memory_space<hbm>> -> memref<400x128xf32, #tpu.memory_space<hbm>>
    %dma_start3A_71 = arith.constant 0 : i32
    %dma_start3A_72 = tpu.memref_slice %arg4[%add3A_68, %dma_start3A_71] : memref<204800x128xf32, #tpu.memory_space<hbm>> -> memref<400x128xf32, #tpu.memory_space<hbm>>
    tpu.enqueue_dma source(%arg7 : memref<400x128xf32, #tpu.memory_space<vmem>>) target(%dma_start3A_72 : memref<400x128xf32, #tpu.memory_space<hbm>>) target_semaphore(%arg11 : memref<!tpu.dma_semaphore, #tpu.memory_space<semaphore_mem>>)
    %dma_wait3A_73 = arith.constant 0 : i32
    %dma_wait3A_74 = tpu.memref_slice %arg4[%add3A_48, %dma_wait3A_73] : memref<204800x128xf32, #tpu.memory_space<hbm>> -> memref<400x128xf32, #tpu.memory_space<hbm>>
    %dma_wait3A_75 = arith.constant 0 : i32
    %dma_wait3A_76 = tpu.memref_slice %arg4[%add3A_48, %dma_wait3A_75] : memref<204800x128xf32, #tpu.memory_space<hbm>> -> memref<400x128xf32, #tpu.memory_space<hbm>>
    tpu.wait_dma2 semaphore(%arg10 : memref<!tpu.dma_semaphore, #tpu.memory_space<semaphore_mem>>) src(%arg6 : memref<400x128xf32, #tpu.memory_space<vmem>>) dst(%dma_wait3A_76 : memref<400x128xf32, #tpu.memory_space<hbm>>)
    %dma_start3A_77 = arith.constant 1600 : i32
    %dma_start3A_78 = tpu.memref_slice %arg5[%dma_start3A_77] : memref<6400xi32, #tpu.memory_space<vmem>> -> memref<400xi32, #tpu.memory_space<vmem>>
    %dma_start3A_79 = arith.constant 0 : i32
    %dma_start3A_80 = arith.constant 0 : i32
    %dma_start3A_81 = tpu.memref_slice %arg2[%dma_start3A_79, %dma_start3A_80] : memref<100000x128xf32, #tpu.memory_space<hbm>> -> memref<100000x128xf32, #tpu.memory_space<hbm>>
    tpu.enqueue_indirect_dma source(%dma_start3A_81 : memref<100000x128xf32, #tpu.memory_space<hbm>>) target(%arg6 : memref<400x128xf32, #tpu.memory_space<vmem>>) offsets(%dma_start3A_78 : memref<400xi32, #tpu.memory_space<vmem>>) semaphore(%arg8 : memref<!tpu.dma_semaphore, #tpu.memory_space<semaphore_mem>>)
    %dma_wait3A_82 = arith.constant 1600 : i32
    %dma_wait3A_83 = tpu.memref_slice %arg5[%dma_wait3A_82] : memref<6400xi32, #tpu.memory_space<vmem>> -> memref<400xi32, #tpu.memory_space<vmem>>
    %dma_wait3A_84 = arith.constant 0 : i32
    %dma_wait3A_85 = arith.constant 0 : i32
    %dma_wait3A_86 = tpu.memref_slice %arg2[%dma_wait3A_84, %dma_wait3A_85] : memref<100000x128xf32, #tpu.memory_space<hbm>> -> memref<100000x128xf32, #tpu.memory_space<hbm>>
    tpu.wait_indirect_dma semaphore(%arg8 : memref<!tpu.dma_semaphore, #tpu.memory_space<semaphore_mem>>) src(%dma_wait3A_86 : memref<100000x128xf32, #tpu.memory_space<hbm>>) dst(%arg6 : memref<400x128xf32, #tpu.memory_space<vmem>>)
    %add3A_87 = arith.constant 1600 : i32
    %add3A_88 = arith.addi %mul3A_2, %add3A_87 : i32
    %dma_start3A_89 = arith.constant 0 : i32
    %dma_start3A_90 = tpu.memref_slice %arg4[%add3A_88, %dma_start3A_89] : memref<204800x128xf32, #tpu.memory_space<hbm>> -> memref<400x128xf32, #tpu.memory_space<hbm>>
    %dma_start3A_91 = arith.constant 0 : i32
    %dma_start3A_92 = tpu.memref_slice %arg4[%add3A_88, %dma_start3A_91] : memref<204800x128xf32, #tpu.memory_space<hbm>> -> memref<400x128xf32, #tpu.memory_space<hbm>>
    tpu.enqueue_dma source(%arg6 : memref<400x128xf32, #tpu.memory_space<vmem>>) target(%dma_start3A_92 : memref<400x128xf32, #tpu.memory_space<hbm>>) target_semaphore(%arg10 : memref<!tpu.dma_semaphore, #tpu.memory_space<semaphore_mem>>)
    %dma_wait3A_93 = arith.constant 0 : i32
    %dma_wait3A_94 = tpu.memref_slice %arg4[%add3A_68, %dma_wait3A_93] : memref<204800x128xf32, #tpu.memory_space<hbm>> -> memref<400x128xf32, #tpu.memory_space<hbm>>
    %dma_wait3A_95 = arith.constant 0 : i32
    %dma_wait3A_96 = tpu.memref_slice %arg4[%add3A_68, %dma_wait3A_95] : memref<204800x128xf32, #tpu.memory_space<hbm>> -> memref<400x128xf32, #tpu.memory_space<hbm>>
    tpu.wait_dma2 semaphore(%arg11 : memref<!tpu.dma_semaphore, #tpu.memory_space<semaphore_mem>>) src(%arg7 : memref<400x128xf32, #tpu.memory_space<vmem>>) dst(%dma_wait3A_96 : memref<400x128xf32, #tpu.memory_space<hbm>>)
    %dma_start3A_97 = arith.constant 2000 : i32
    %dma_start3A_98 = tpu.memref_slice %arg5[%dma_start3A_97] : memref<6400xi32, #tpu.memory_space<vmem>> -> memref<400xi32, #tpu.memory_space<vmem>>
    %dma_start3A_99 = arith.constant 0 : i32
    %dma_start3A_100 = arith.constant 0 : i32
    %dma_start3A_101 = tpu.memref_slice %arg2[%dma_start3A_99, %dma_start3A_100] : memref<100000x128xf32, #tpu.memory_space<hbm>> -> memref<100000x128xf32, #tpu.memory_space<hbm>>
    tpu.enqueue_indirect_dma source(%dma_start3A_101 : memref<100000x128xf32, #tpu.memory_space<hbm>>) target(%arg7 : memref<400x128xf32, #tpu.memory_space<vmem>>) offsets(%dma_start3A_98 : memref<400xi32, #tpu.memory_space<vmem>>) semaphore(%arg9 : memref<!tpu.dma_semaphore, #tpu.memory_space<semaphore_mem>>)
    %dma_wait3A_102 = arith.constant 2000 : i32
    %dma_wait3A_103 = tpu.memref_slice %arg5[%dma_wait3A_102] : memref<6400xi32, #tpu.memory_space<vmem>> -> memref<400xi32, #tpu.memory_space<vmem>>
    %dma_wait3A_104 = arith.constant 0 : i32
    %dma_wait3A_105 = arith.constant 0 : i32
    %dma_wait3A_106 = tpu.memref_slice %arg2[%dma_wait3A_104, %dma_wait3A_105] : memref<100000x128xf32, #tpu.memory_space<hbm>> -> memref<100000x128xf32, #tpu.memory_space<hbm>>
    tpu.wait_indirect_dma semaphore(%arg9 : memref<!tpu.dma_semaphore, #tpu.memory_space<semaphore_mem>>) src(%dma_wait3A_106 : memref<100000x128xf32, #tpu.memory_space<hbm>>) dst(%arg7 : memref<400x128xf32, #tpu.memory_space<vmem>>)
    %add3A_107 = arith.constant 2000 : i32
    %add3A_108 = arith.addi %mul3A_2, %add3A_107 : i32
    %dma_start3A_109 = arith.constant 0 : i32
    %dma_start3A_110 = tpu.memref_slice %arg4[%add3A_108, %dma_start3A_109] : memref<204800x128xf32, #tpu.memory_space<hbm>> -> memref<400x128xf32, #tpu.memory_space<hbm>>
    %dma_start3A_111 = arith.constant 0 : i32
    %dma_start3A_112 = tpu.memref_slice %arg4[%add3A_108, %dma_start3A_111] : memref<204800x128xf32, #tpu.memory_space<hbm>> -> memref<400x128xf32, #tpu.memory_space<hbm>>
    tpu.enqueue_dma source(%arg7 : memref<400x128xf32, #tpu.memory_space<vmem>>) target(%dma_start3A_112 : memref<400x128xf32, #tpu.memory_space<hbm>>) target_semaphore(%arg11 : memref<!tpu.dma_semaphore, #tpu.memory_space<semaphore_mem>>)
    %dma_wait3A_113 = arith.constant 0 : i32
    %dma_wait3A_114 = tpu.memref_slice %arg4[%add3A_88, %dma_wait3A_113] : memref<204800x128xf32, #tpu.memory_space<hbm>> -> memref<400x128xf32, #tpu.memory_space<hbm>>
    %dma_wait3A_115 = arith.constant 0 : i32
    %dma_wait3A_116 = tpu.memref_slice %arg4[%add3A_88, %dma_wait3A_115] : memref<204800x128xf32, #tpu.memory_space<hbm>> -> memref<400x128xf32, #tpu.memory_space<hbm>>
    tpu.wait_dma2 semaphore(%arg10 : memref<!tpu.dma_semaphore, #tpu.memory_space<semaphore_mem>>) src(%arg6 : memref<400x128xf32, #tpu.memory_space<vmem>>) dst(%dma_wait3A_116 : memref<400x128xf32, #tpu.memory_space<hbm>>)
    %dma_start3A_117 = arith.constant 2400 : i32
    %dma_start3A_118 = tpu.memref_slice %arg5[%dma_start3A_117] : memref<6400xi32, #tpu.memory_space<vmem>> -> memref<400xi32, #tpu.memory_space<vmem>>
    %dma_start3A_119 = arith.constant 0 : i32
    %dma_start3A_120 = arith.constant 0 : i32
    %dma_start3A_121 = tpu.memref_slice %arg2[%dma_start3A_119, %dma_start3A_120] : memref<100000x128xf32, #tpu.memory_space<hbm>> -> memref<100000x128xf32, #tpu.memory_space<hbm>>
    tpu.enqueue_indirect_dma source(%dma_start3A_121 : memref<100000x128xf32, #tpu.memory_space<hbm>>) target(%arg6 : memref<400x128xf32, #tpu.memory_space<vmem>>) offsets(%dma_start3A_118 : memref<400xi32, #tpu.memory_space<vmem>>) semaphore(%arg8 : memref<!tpu.dma_semaphore, #tpu.memory_space<semaphore_mem>>)
    %dma_wait3A_122 = arith.constant 2400 : i32
    %dma_wait3A_123 = tpu.memref_slice %arg5[%dma_wait3A_122] : memref<6400xi32, #tpu.memory_space<vmem>> -> memref<400xi32, #tpu.memory_space<vmem>>
    %dma_wait3A_124 = arith.constant 0 : i32
    %dma_wait3A_125 = arith.constant 0 : i32
    %dma_wait3A_126 = tpu.memref_slice %arg2[%dma_wait3A_124, %dma_wait3A_125] : memref<100000x128xf32, #tpu.memory_space<hbm>> -> memref<100000x128xf32, #tpu.memory_space<hbm>>
    tpu.wait_indirect_dma semaphore(%arg8 : memref<!tpu.dma_semaphore, #tpu.memory_space<semaphore_mem>>) src(%dma_wait3A_126 : memref<100000x128xf32, #tpu.memory_space<hbm>>) dst(%arg6 : memref<400x128xf32, #tpu.memory_space<vmem>>)
    %add3A_127 = arith.constant 2400 : i32
    %add3A_128 = arith.addi %mul3A_2, %add3A_127 : i32
    %dma_start3A_129 = arith.constant 0 : i32
    %dma_start3A_130 = tpu.memref_slice %arg4[%add3A_128, %dma_start3A_129] : memref<204800x128xf32, #tpu.memory_space<hbm>> -> memref<400x128xf32, #tpu.memory_space<hbm>>
    %dma_start3A_131 = arith.constant 0 : i32
    %dma_start3A_132 = tpu.memref_slice %arg4[%add3A_128, %dma_start3A_131] : memref<204800x128xf32, #tpu.memory_space<hbm>> -> memref<400x128xf32, #tpu.memory_space<hbm>>
    tpu.enqueue_dma source(%arg6 : memref<400x128xf32, #tpu.memory_space<vmem>>) target(%dma_start3A_132 : memref<400x128xf32, #tpu.memory_space<hbm>>) target_semaphore(%arg10 : memref<!tpu.dma_semaphore, #tpu.memory_space<semaphore_mem>>)
    %dma_wait3A_133 = arith.constant 0 : i32
    %dma_wait3A_134 = tpu.memref_slice %arg4[%add3A_108, %dma_wait3A_133] : memref<204800x128xf32, #tpu.memory_space<hbm>> -> memref<400x128xf32, #tpu.memory_space<hbm>>
    %dma_wait3A_135 = arith.constant 0 : i32
    %dma_wait3A_136 = tpu.memref_slice %arg4[%add3A_108, %dma_wait3A_135] : memref<204800x128xf32, #tpu.memory_space<hbm>> -> memref<400x128xf32, #tpu.memory_space<hbm>>
    tpu.wait_dma2 semaphore(%arg11 : memref<!tpu.dma_semaphore, #tpu.memory_space<semaphore_mem>>) src(%arg7 : memref<400x128xf32, #tpu.memory_space<vmem>>) dst(%dma_wait3A_136 : memref<400x128xf32, #tpu.memory_space<hbm>>)
    %dma_start3A_137 = arith.constant 2800 : i32
    %dma_start3A_138 = tpu.memref_slice %arg5[%dma_start3A_137] : memref<6400xi32, #tpu.memory_space<vmem>> -> memref<400xi32, #tpu.memory_space<vmem>>
    %dma_start3A_139 = arith.constant 0 : i32
    %dma_start3A_140 = arith.constant 0 : i32
    %dma_start3A_141 = tpu.memref_slice %arg2[%dma_start3A_139, %dma_start3A_140] : memref<100000x128xf32, #tpu.memory_space<hbm>> -> memref<100000x128xf32, #tpu.memory_space<hbm>>
    tpu.enqueue_indirect_dma source(%dma_start3A_141 : memref<100000x128xf32, #tpu.memory_space<hbm>>) target(%arg7 : memref<400x128xf32, #tpu.memory_space<vmem>>) offsets(%dma_start3A_138 : memref<400xi32, #tpu.memory_space<vmem>>) semaphore(%arg9 : memref<!tpu.dma_semaphore, #tpu.memory_space<semaphore_mem>>)
    %dma_wait3A_142 = arith.constant 2800 : i32
    %dma_wait3A_143 = tpu.memref_slice %arg5[%dma_wait3A_142] : memref<6400xi32, #tpu.memory_space<vmem>> -> memref<400xi32, #tpu.memory_space<vmem>>
    %dma_wait3A_144 = arith.constant 0 : i32
    %dma_wait3A_145 = arith.constant 0 : i32
    %dma_wait3A_146 = tpu.memref_slice %arg2[%dma_wait3A_144, %dma_wait3A_145] : memref<100000x128xf32, #tpu.memory_space<hbm>> -> memref<100000x128xf32, #tpu.memory_space<hbm>>
    tpu.wait_indirect_dma semaphore(%arg9 : memref<!tpu.dma_semaphore, #tpu.memory_space<semaphore_mem>>) src(%dma_wait3A_146 : memref<100000x128xf32, #tpu.memory_space<hbm>>) dst(%arg7 : memref<400x128xf32, #tpu.memory_space<vmem>>)
    %add3A_147 = arith.constant 2800 : i32
    %add3A_148 = arith.addi %mul3A_2, %add3A_147 : i32
    %dma_start3A_149 = arith.constant 0 : i32
    %dma_start3A_150 = tpu.memref_slice %arg4[%add3A_148, %dma_start3A_149] : memref<204800x128xf32, #tpu.memory_space<hbm>> -> memref<400x128xf32, #tpu.memory_space<hbm>>
    %dma_start3A_151 = arith.constant 0 : i32
    %dma_start3A_152 = tpu.memref_slice %arg4[%add3A_148, %dma_start3A_151] : memref<204800x128xf32, #tpu.memory_space<hbm>> -> memref<400x128xf32, #tpu.memory_space<hbm>>
    tpu.enqueue_dma source(%arg7 : memref<400x128xf32, #tpu.memory_space<vmem>>) target(%dma_start3A_152 : memref<400x128xf32, #tpu.memory_space<hbm>>) target_semaphore(%arg11 : memref<!tpu.dma_semaphore, #tpu.memory_space<semaphore_mem>>)
    %dma_wait3A_153 = arith.constant 0 : i32
    %dma_wait3A_154 = tpu.memref_slice %arg4[%add3A_128, %dma_wait3A_153] : memref<204800x128xf32, #tpu.memory_space<hbm>> -> memref<400x128xf32, #tpu.memory_space<hbm>>
    %dma_wait3A_155 = arith.constant 0 : i32
    %dma_wait3A_156 = tpu.memref_slice %arg4[%add3A_128, %dma_wait3A_155] : memref<204800x128xf32, #tpu.memory_space<hbm>> -> memref<400x128xf32, #tpu.memory_space<hbm>>
    tpu.wait_dma2 semaphore(%arg10 : memref<!tpu.dma_semaphore, #tpu.memory_space<semaphore_mem>>) src(%arg6 : memref<400x128xf32, #tpu.memory_space<vmem>>) dst(%dma_wait3A_156 : memref<400x128xf32, #tpu.memory_space<hbm>>)
    %dma_start3A_157 = arith.constant 3200 : i32
    %dma_start3A_158 = tpu.memref_slice %arg5[%dma_start3A_157] : memref<6400xi32, #tpu.memory_space<vmem>> -> memref<400xi32, #tpu.memory_space<vmem>>
    %dma_start3A_159 = arith.constant 0 : i32
    %dma_start3A_160 = arith.constant 0 : i32
    %dma_start3A_161 = tpu.memref_slice %arg2[%dma_start3A_159, %dma_start3A_160] : memref<100000x128xf32, #tpu.memory_space<hbm>> -> memref<100000x128xf32, #tpu.memory_space<hbm>>
    tpu.enqueue_indirect_dma source(%dma_start3A_161 : memref<100000x128xf32, #tpu.memory_space<hbm>>) target(%arg6 : memref<400x128xf32, #tpu.memory_space<vmem>>) offsets(%dma_start3A_158 : memref<400xi32, #tpu.memory_space<vmem>>) semaphore(%arg8 : memref<!tpu.dma_semaphore, #tpu.memory_space<semaphore_mem>>)
    %dma_wait3A_162 = arith.constant 3200 : i32
    %dma_wait3A_163 = tpu.memref_slice %arg5[%dma_wait3A_162] : memref<6400xi32, #tpu.memory_space<vmem>> -> memref<400xi32, #tpu.memory_space<vmem>>
    %dma_wait3A_164 = arith.constant 0 : i32
    %dma_wait3A_165 = arith.constant 0 : i32
    %dma_wait3A_166 = tpu.memref_slice %arg2[%dma_wait3A_164, %dma_wait3A_165] : memref<100000x128xf32, #tpu.memory_space<hbm>> -> memref<100000x128xf32, #tpu.memory_space<hbm>>
    tpu.wait_indirect_dma semaphore(%arg8 : memref<!tpu.dma_semaphore, #tpu.memory_space<semaphore_mem>>) src(%dma_wait3A_166 : memref<100000x128xf32, #tpu.memory_space<hbm>>) dst(%arg6 : memref<400x128xf32, #tpu.memory_space<vmem>>)
    %add3A_167 = arith.constant 3200 : i32
    %add3A_168 = arith.addi %mul3A_2, %add3A_167 : i32
    %dma_start3A_169 = arith.constant 0 : i32
    %dma_start3A_170 = tpu.memref_slice %arg4[%add3A_168, %dma_start3A_169] : memref<204800x128xf32, #tpu.memory_space<hbm>> -> memref<400x128xf32, #tpu.memory_space<hbm>>
    %dma_start3A_171 = arith.constant 0 : i32
    %dma_start3A_172 = tpu.memref_slice %arg4[%add3A_168, %dma_start3A_171] : memref<204800x128xf32, #tpu.memory_space<hbm>> -> memref<400x128xf32, #tpu.memory_space<hbm>>
    tpu.enqueue_dma source(%arg6 : memref<400x128xf32, #tpu.memory_space<vmem>>) target(%dma_start3A_172 : memref<400x128xf32, #tpu.memory_space<hbm>>) target_semaphore(%arg10 : memref<!tpu.dma_semaphore, #tpu.memory_space<semaphore_mem>>)
    %dma_wait3A_173 = arith.constant 0 : i32
    %dma_wait3A_174 = tpu.memref_slice %arg4[%add3A_148, %dma_wait3A_173] : memref<204800x128xf32, #tpu.memory_space<hbm>> -> memref<400x128xf32, #tpu.memory_space<hbm>>
    %dma_wait3A_175 = arith.constant 0 : i32
    %dma_wait3A_176 = tpu.memref_slice %arg4[%add3A_148, %dma_wait3A_175] : memref<204800x128xf32, #tpu.memory_space<hbm>> -> memref<400x128xf32, #tpu.memory_space<hbm>>
    tpu.wait_dma2 semaphore(%arg11 : memref<!tpu.dma_semaphore, #tpu.memory_space<semaphore_mem>>) src(%arg7 : memref<400x128xf32, #tpu.memory_space<vmem>>) dst(%dma_wait3A_176 : memref<400x128xf32, #tpu.memory_space<hbm>>)
    %dma_start3A_177 = arith.constant 3600 : i32
    %dma_start3A_178 = tpu.memref_slice %arg5[%dma_start3A_177] : memref<6400xi32, #tpu.memory_space<vmem>> -> memref<400xi32, #tpu.memory_space<vmem>>
    %dma_start3A_179 = arith.constant 0 : i32
    %dma_start3A_180 = arith.constant 0 : i32
    %dma_start3A_181 = tpu.memref_slice %arg2[%dma_start3A_179, %dma_start3A_180] : memref<100000x128xf32, #tpu.memory_space<hbm>> -> memref<100000x128xf32, #tpu.memory_space<hbm>>
    tpu.enqueue_indirect_dma source(%dma_start3A_181 : memref<100000x128xf32, #tpu.memory_space<hbm>>) target(%arg7 : memref<400x128xf32, #tpu.memory_space<vmem>>) offsets(%dma_start3A_178 : memref<400xi32, #tpu.memory_space<vmem>>) semaphore(%arg9 : memref<!tpu.dma_semaphore, #tpu.memory_space<semaphore_mem>>)
    %dma_wait3A_182 = arith.constant 3600 : i32
    %dma_wait3A_183 = tpu.memref_slice %arg5[%dma_wait3A_182] : memref<6400xi32, #tpu.memory_space<vmem>> -> memref<400xi32, #tpu.memory_space<vmem>>
    %dma_wait3A_184 = arith.constant 0 : i32
    %dma_wait3A_185 = arith.constant 0 : i32
    %dma_wait3A_186 = tpu.memref_slice %arg2[%dma_wait3A_184, %dma_wait3A_185] : memref<100000x128xf32, #tpu.memory_space<hbm>> -> memref<100000x128xf32, #tpu.memory_space<hbm>>
    tpu.wait_indirect_dma semaphore(%arg9 : memref<!tpu.dma_semaphore, #tpu.memory_space<semaphore_mem>>) src(%dma_wait3A_186 : memref<100000x128xf32, #tpu.memory_space<hbm>>) dst(%arg7 : memref<400x128xf32, #tpu.memory_space<vmem>>)
    %add3A_187 = arith.constant 3600 : i32
    %add3A_188 = arith.addi %mul3A_2, %add3A_187 : i32
    %dma_start3A_189 = arith.constant 0 : i32
    %dma_start3A_190 = tpu.memref_slice %arg4[%add3A_188, %dma_start3A_189] : memref<204800x128xf32, #tpu.memory_space<hbm>> -> memref<400x128xf32, #tpu.memory_space<hbm>>
    %dma_start3A_191 = arith.constant 0 : i32
    %dma_start3A_192 = tpu.memref_slice %arg4[%add3A_188, %dma_start3A_191] : memref<204800x128xf32, #tpu.memory_space<hbm>> -> memref<400x128xf32, #tpu.memory_space<hbm>>
    tpu.enqueue_dma source(%arg7 : memref<400x128xf32, #tpu.memory_space<vmem>>) target(%dma_start3A_192 : memref<400x128xf32, #tpu.memory_space<hbm>>) target_semaphore(%arg11 : memref<!tpu.dma_semaphore, #tpu.memory_space<semaphore_mem>>)
    %dma_wait3A_193 = arith.constant 0 : i32
    %dma_wait3A_194 = tpu.memref_slice %arg4[%add3A_168, %dma_wait3A_193] : memref<204800x128xf32, #tpu.memory_space<hbm>> -> memref<400x128xf32, #tpu.memory_space<hbm>>
    %dma_wait3A_195 = arith.constant 0 : i32
    %dma_wait3A_196 = tpu.memref_slice %arg4[%add3A_168, %dma_wait3A_195] : memref<204800x128xf32, #tpu.memory_space<hbm>> -> memref<400x128xf32, #tpu.memory_space<hbm>>
    tpu.wait_dma2 semaphore(%arg10 : memref<!tpu.dma_semaphore, #tpu.memory_space<semaphore_mem>>) src(%arg6 : memref<400x128xf32, #tpu.memory_space<vmem>>) dst(%dma_wait3A_196 : memref<400x128xf32, #tpu.memory_space<hbm>>)
    %dma_start3A_197 = arith.constant 4000 : i32
    %dma_start3A_198 = tpu.memref_slice %arg5[%dma_start3A_197] : memref<6400xi32, #tpu.memory_space<vmem>> -> memref<400xi32, #tpu.memory_space<vmem>>
    %dma_start3A_199 = arith.constant 0 : i32
    %dma_start3A_200 = arith.constant 0 : i32
    %dma_start3A_201 = tpu.memref_slice %arg2[%dma_start3A_199, %dma_start3A_200] : memref<100000x128xf32, #tpu.memory_space<hbm>> -> memref<100000x128xf32, #tpu.memory_space<hbm>>
    tpu.enqueue_indirect_dma source(%dma_start3A_201 : memref<100000x128xf32, #tpu.memory_space<hbm>>) target(%arg6 : memref<400x128xf32, #tpu.memory_space<vmem>>) offsets(%dma_start3A_198 : memref<400xi32, #tpu.memory_space<vmem>>) semaphore(%arg8 : memref<!tpu.dma_semaphore, #tpu.memory_space<semaphore_mem>>)
    %dma_wait3A_202 = arith.constant 4000 : i32
    %dma_wait3A_203 = tpu.memref_slice %arg5[%dma_wait3A_202] : memref<6400xi32, #tpu.memory_space<vmem>> -> memref<400xi32, #tpu.memory_space<vmem>>
    %dma_wait3A_204 = arith.constant 0 : i32
    %dma_wait3A_205 = arith.constant 0 : i32
    %dma_wait3A_206 = tpu.memref_slice %arg2[%dma_wait3A_204, %dma_wait3A_205] : memref<100000x128xf32, #tpu.memory_space<hbm>> -> memref<100000x128xf32, #tpu.memory_space<hbm>>
    tpu.wait_indirect_dma semaphore(%arg8 : memref<!tpu.dma_semaphore, #tpu.memory_space<semaphore_mem>>) src(%dma_wait3A_206 : memref<100000x128xf32, #tpu.memory_space<hbm>>) dst(%arg6 : memref<400x128xf32, #tpu.memory_space<vmem>>)
    %add3A_207 = arith.constant 4000 : i32
    %add3A_208 = arith.addi %mul3A_2, %add3A_207 : i32
    %dma_start3A_209 = arith.constant 0 : i32
    %dma_start3A_210 = tpu.memref_slice %arg4[%add3A_208, %dma_start3A_209] : memref<204800x128xf32, #tpu.memory_space<hbm>> -> memref<400x128xf32, #tpu.memory_space<hbm>>
    %dma_start3A_211 = arith.constant 0 : i32
    %dma_start3A_212 = tpu.memref_slice %arg4[%add3A_208, %dma_start3A_211] : memref<204800x128xf32, #tpu.memory_space<hbm>> -> memref<400x128xf32, #tpu.memory_space<hbm>>
    tpu.enqueue_dma source(%arg6 : memref<400x128xf32, #tpu.memory_space<vmem>>) target(%dma_start3A_212 : memref<400x128xf32, #tpu.memory_space<hbm>>) target_semaphore(%arg10 : memref<!tpu.dma_semaphore, #tpu.memory_space<semaphore_mem>>)
    %dma_wait3A_213 = arith.constant 0 : i32
    %dma_wait3A_214 = tpu.memref_slice %arg4[%add3A_188, %dma_wait3A_213] : memref<204800x128xf32, #tpu.memory_space<hbm>> -> memref<400x128xf32, #tpu.memory_space<hbm>>
    %dma_wait3A_215 = arith.constant 0 : i32
    %dma_wait3A_216 = tpu.memref_slice %arg4[%add3A_188, %dma_wait3A_215] : memref<204800x128xf32, #tpu.memory_space<hbm>> -> memref<400x128xf32, #tpu.memory_space<hbm>>
    tpu.wait_dma2 semaphore(%arg11 : memref<!tpu.dma_semaphore, #tpu.memory_space<semaphore_mem>>) src(%arg7 : memref<400x128xf32, #tpu.memory_space<vmem>>) dst(%dma_wait3A_216 : memref<400x128xf32, #tpu.memory_space<hbm>>)
    %dma_start3A_217 = arith.constant 4400 : i32
    %dma_start3A_218 = tpu.memref_slice %arg5[%dma_start3A_217] : memref<6400xi32, #tpu.memory_space<vmem>> -> memref<400xi32, #tpu.memory_space<vmem>>
    %dma_start3A_219 = arith.constant 0 : i32
    %dma_start3A_220 = arith.constant 0 : i32
    %dma_start3A_221 = tpu.memref_slice %arg2[%dma_start3A_219, %dma_start3A_220] : memref<100000x128xf32, #tpu.memory_space<hbm>> -> memref<100000x128xf32, #tpu.memory_space<hbm>>
    tpu.enqueue_indirect_dma source(%dma_start3A_221 : memref<100000x128xf32, #tpu.memory_space<hbm>>) target(%arg7 : memref<400x128xf32, #tpu.memory_space<vmem>>) offsets(%dma_start3A_218 : memref<400xi32, #tpu.memory_space<vmem>>) semaphore(%arg9 : memref<!tpu.dma_semaphore, #tpu.memory_space<semaphore_mem>>)
    %dma_wait3A_222 = arith.constant 4400 : i32
    %dma_wait3A_223 = tpu.memref_slice %arg5[%dma_wait3A_222] : memref<6400xi32, #tpu.memory_space<vmem>> -> memref<400xi32, #tpu.memory_space<vmem>>
    %dma_wait3A_224 = arith.constant 0 : i32
    %dma_wait3A_225 = arith.constant 0 : i32
    %dma_wait3A_226 = tpu.memref_slice %arg2[%dma_wait3A_224, %dma_wait3A_225] : memref<100000x128xf32, #tpu.memory_space<hbm>> -> memref<100000x128xf32, #tpu.memory_space<hbm>>
    tpu.wait_indirect_dma semaphore(%arg9 : memref<!tpu.dma_semaphore, #tpu.memory_space<semaphore_mem>>) src(%dma_wait3A_226 : memref<100000x128xf32, #tpu.memory_space<hbm>>) dst(%arg7 : memref<400x128xf32, #tpu.memory_space<vmem>>)
    %add3A_227 = arith.constant 4400 : i32
    %add3A_228 = arith.addi %mul3A_2, %add3A_227 : i32
    %dma_start3A_229 = arith.constant 0 : i32
    %dma_start3A_230 = tpu.memref_slice %arg4[%add3A_228, %dma_start3A_229] : memref<204800x128xf32, #tpu.memory_space<hbm>> -> memref<400x128xf32, #tpu.memory_space<hbm>>
    %dma_start3A_231 = arith.constant 0 : i32
    %dma_start3A_232 = tpu.memref_slice %arg4[%add3A_228, %dma_start3A_231] : memref<204800x128xf32, #tpu.memory_space<hbm>> -> memref<400x128xf32, #tpu.memory_space<hbm>>
    tpu.enqueue_dma source(%arg7 : memref<400x128xf32, #tpu.memory_space<vmem>>) target(%dma_start3A_232 : memref<400x128xf32, #tpu.memory_space<hbm>>) target_semaphore(%arg11 : memref<!tpu.dma_semaphore, #tpu.memory_space<semaphore_mem>>)
    %dma_wait3A_233 = arith.constant 0 : i32
    %dma_wait3A_234 = tpu.memref_slice %arg4[%add3A_208, %dma_wait3A_233] : memref<204800x128xf32, #tpu.memory_space<hbm>> -> memref<400x128xf32, #tpu.memory_space<hbm>>
    %dma_wait3A_235 = arith.constant 0 : i32
    %dma_wait3A_236 = tpu.memref_slice %arg4[%add3A_208, %dma_wait3A_235] : memref<204800x128xf32, #tpu.memory_space<hbm>> -> memref<400x128xf32, #tpu.memory_space<hbm>>
    tpu.wait_dma2 semaphore(%arg10 : memref<!tpu.dma_semaphore, #tpu.memory_space<semaphore_mem>>) src(%arg6 : memref<400x128xf32, #tpu.memory_space<vmem>>) dst(%dma_wait3A_236 : memref<400x128xf32, #tpu.memory_space<hbm>>)
    %dma_start3A_237 = arith.constant 4800 : i32
    %dma_start3A_238 = tpu.memref_slice %arg5[%dma_start3A_237] : memref<6400xi32, #tpu.memory_space<vmem>> -> memref<400xi32, #tpu.memory_space<vmem>>
    %dma_start3A_239 = arith.constant 0 : i32
    %dma_start3A_240 = arith.constant 0 : i32
    %dma_start3A_241 = tpu.memref_slice %arg2[%dma_start3A_239, %dma_start3A_240] : memref<100000x128xf32, #tpu.memory_space<hbm>> -> memref<100000x128xf32, #tpu.memory_space<hbm>>
    tpu.enqueue_indirect_dma source(%dma_start3A_241 : memref<100000x128xf32, #tpu.memory_space<hbm>>) target(%arg6 : memref<400x128xf32, #tpu.memory_space<vmem>>) offsets(%dma_start3A_238 : memref<400xi32, #tpu.memory_space<vmem>>) semaphore(%arg8 : memref<!tpu.dma_semaphore, #tpu.memory_space<semaphore_mem>>)
    %dma_wait3A_242 = arith.constant 4800 : i32
    %dma_wait3A_243 = tpu.memref_slice %arg5[%dma_wait3A_242] : memref<6400xi32, #tpu.memory_space<vmem>> -> memref<400xi32, #tpu.memory_space<vmem>>
    %dma_wait3A_244 = arith.constant 0 : i32
    %dma_wait3A_245 = arith.constant 0 : i32
    %dma_wait3A_246 = tpu.memref_slice %arg2[%dma_wait3A_244, %dma_wait3A_245] : memref<100000x128xf32, #tpu.memory_space<hbm>> -> memref<100000x128xf32, #tpu.memory_space<hbm>>
    tpu.wait_indirect_dma semaphore(%arg8 : memref<!tpu.dma_semaphore, #tpu.memory_space<semaphore_mem>>) src(%dma_wait3A_246 : memref<100000x128xf32, #tpu.memory_space<hbm>>) dst(%arg6 : memref<400x128xf32, #tpu.memory_space<vmem>>)
    %add3A_247 = arith.constant 4800 : i32
    %add3A_248 = arith.addi %mul3A_2, %add3A_247 : i32
    %dma_start3A_249 = arith.constant 0 : i32
    %dma_start3A_250 = tpu.memref_slice %arg4[%add3A_248, %dma_start3A_249] : memref<204800x128xf32, #tpu.memory_space<hbm>> -> memref<400x128xf32, #tpu.memory_space<hbm>>
    %dma_start3A_251 = arith.constant 0 : i32
    %dma_start3A_252 = tpu.memref_slice %arg4[%add3A_248, %dma_start3A_251] : memref<204800x128xf32, #tpu.memory_space<hbm>> -> memref<400x128xf32, #tpu.memory_space<hbm>>
    tpu.enqueue_dma source(%arg6 : memref<400x128xf32, #tpu.memory_space<vmem>>) target(%dma_start3A_252 : memref<400x128xf32, #tpu.memory_space<hbm>>) target_semaphore(%arg10 : memref<!tpu.dma_semaphore, #tpu.memory_space<semaphore_mem>>)
    %dma_wait3A_253 = arith.constant 0 : i32
    %dma_wait3A_254 = tpu.memref_slice %arg4[%add3A_228, %dma_wait3A_253] : memref<204800x128xf32, #tpu.memory_space<hbm>> -> memref<400x128xf32, #tpu.memory_space<hbm>>
    %dma_wait3A_255 = arith.constant 0 : i32
    %dma_wait3A_256 = tpu.memref_slice %arg4[%add3A_228, %dma_wait3A_255] : memref<204800x128xf32, #tpu.memory_space<hbm>> -> memref<400x128xf32, #tpu.memory_space<hbm>>
    tpu.wait_dma2 semaphore(%arg11 : memref<!tpu.dma_semaphore, #tpu.memory_space<semaphore_mem>>) src(%arg7 : memref<400x128xf32, #tpu.memory_space<vmem>>) dst(%dma_wait3A_256 : memref<400x128xf32, #tpu.memory_space<hbm>>)
    %dma_start3A_257 = arith.constant 5200 : i32
    %dma_start3A_258 = tpu.memref_slice %arg5[%dma_start3A_257] : memref<6400xi32, #tpu.memory_space<vmem>> -> memref<400xi32, #tpu.memory_space<vmem>>
    %dma_start3A_259 = arith.constant 0 : i32
    %dma_start3A_260 = arith.constant 0 : i32
    %dma_start3A_261 = tpu.memref_slice %arg2[%dma_start3A_259, %dma_start3A_260] : memref<100000x128xf32, #tpu.memory_space<hbm>> -> memref<100000x128xf32, #tpu.memory_space<hbm>>
    tpu.enqueue_indirect_dma source(%dma_start3A_261 : memref<100000x128xf32, #tpu.memory_space<hbm>>) target(%arg7 : memref<400x128xf32, #tpu.memory_space<vmem>>) offsets(%dma_start3A_258 : memref<400xi32, #tpu.memory_space<vmem>>) semaphore(%arg9 : memref<!tpu.dma_semaphore, #tpu.memory_space<semaphore_mem>>)
    %dma_wait3A_262 = arith.constant 5200 : i32
    %dma_wait3A_263 = tpu.memref_slice %arg5[%dma_wait3A_262] : memref<6400xi32, #tpu.memory_space<vmem>> -> memref<400xi32, #tpu.memory_space<vmem>>
    %dma_wait3A_264 = arith.constant 0 : i32
    %dma_wait3A_265 = arith.constant 0 : i32
    %dma_wait3A_266 = tpu.memref_slice %arg2[%dma_wait3A_264, %dma_wait3A_265] : memref<100000x128xf32, #tpu.memory_space<hbm>> -> memref<100000x128xf32, #tpu.memory_space<hbm>>
    tpu.wait_indirect_dma semaphore(%arg9 : memref<!tpu.dma_semaphore, #tpu.memory_space<semaphore_mem>>) src(%dma_wait3A_266 : memref<100000x128xf32, #tpu.memory_space<hbm>>) dst(%arg7 : memref<400x128xf32, #tpu.memory_space<vmem>>)
    %add3A_267 = arith.constant 5200 : i32
    %add3A_268 = arith.addi %mul3A_2, %add3A_267 : i32
    %dma_start3A_269 = arith.constant 0 : i32
    %dma_start3A_270 = tpu.memref_slice %arg4[%add3A_268, %dma_start3A_269] : memref<204800x128xf32, #tpu.memory_space<hbm>> -> memref<400x128xf32, #tpu.memory_space<hbm>>
    %dma_start3A_271 = arith.constant 0 : i32
    %dma_start3A_272 = tpu.memref_slice %arg4[%add3A_268, %dma_start3A_271] : memref<204800x128xf32, #tpu.memory_space<hbm>> -> memref<400x128xf32, #tpu.memory_space<hbm>>
    tpu.enqueue_dma source(%arg7 : memref<400x128xf32, #tpu.memory_space<vmem>>) target(%dma_start3A_272 : memref<400x128xf32, #tpu.memory_space<hbm>>) target_semaphore(%arg11 : memref<!tpu.dma_semaphore, #tpu.memory_space<semaphore_mem>>)
    %dma_wait3A_273 = arith.constant 0 : i32
    %dma_wait3A_274 = tpu.memref_slice %arg4[%add3A_248, %dma_wait3A_273] : memref<204800x128xf32, #tpu.memory_space<hbm>> -> memref<400x128xf32, #tpu.memory_space<hbm>>
    %dma_wait3A_275 = arith.constant 0 : i32
    %dma_wait3A_276 = tpu.memref_slice %arg4[%add3A_248, %dma_wait3A_275] : memref<204800x128xf32, #tpu.memory_space<hbm>> -> memref<400x128xf32, #tpu.memory_space<hbm>>
    tpu.wait_dma2 semaphore(%arg10 : memref<!tpu.dma_semaphore, #tpu.memory_space<semaphore_mem>>) src(%arg6 : memref<400x128xf32, #tpu.memory_space<vmem>>) dst(%dma_wait3A_276 : memref<400x128xf32, #tpu.memory_space<hbm>>)
    %dma_start3A_277 = arith.constant 5600 : i32
    %dma_start3A_278 = tpu.memref_slice %arg5[%dma_start3A_277] : memref<6400xi32, #tpu.memory_space<vmem>> -> memref<400xi32, #tpu.memory_space<vmem>>
    %dma_start3A_279 = arith.constant 0 : i32
    %dma_start3A_280 = arith.constant 0 : i32
    %dma_start3A_281 = tpu.memref_slice %arg2[%dma_start3A_279, %dma_start3A_280] : memref<100000x128xf32, #tpu.memory_space<hbm>> -> memref<100000x128xf32, #tpu.memory_space<hbm>>
    tpu.enqueue_indirect_dma source(%dma_start3A_281 : memref<100000x128xf32, #tpu.memory_space<hbm>>) target(%arg6 : memref<400x128xf32, #tpu.memory_space<vmem>>) offsets(%dma_start3A_278 : memref<400xi32, #tpu.memory_space<vmem>>) semaphore(%arg8 : memref<!tpu.dma_semaphore, #tpu.memory_space<semaphore_mem>>)
    %dma_wait3A_282 = arith.constant 5600 : i32
    %dma_wait3A_283 = tpu.memref_slice %arg5[%dma_wait3A_282] : memref<6400xi32, #tpu.memory_space<vmem>> -> memref<400xi32, #tpu.memory_space<vmem>>
    %dma_wait3A_284 = arith.constant 0 : i32
    %dma_wait3A_285 = arith.constant 0 : i32
    %dma_wait3A_286 = tpu.memref_slice %arg2[%dma_wait3A_284, %dma_wait3A_285] : memref<100000x128xf32, #tpu.memory_space<hbm>> -> memref<100000x128xf32, #tpu.memory_space<hbm>>
    tpu.wait_indirect_dma semaphore(%arg8 : memref<!tpu.dma_semaphore, #tpu.memory_space<semaphore_mem>>) src(%dma_wait3A_286 : memref<100000x128xf32, #tpu.memory_space<hbm>>) dst(%arg6 : memref<400x128xf32, #tpu.memory_space<vmem>>)
    %add3A_287 = arith.constant 5600 : i32
    %add3A_288 = arith.addi %mul3A_2, %add3A_287 : i32
    %dma_start3A_289 = arith.constant 0 : i32
    %dma_start3A_290 = tpu.memref_slice %arg4[%add3A_288, %dma_start3A_289] : memref<204800x128xf32, #tpu.memory_space<hbm>> -> memref<400x128xf32, #tpu.memory_space<hbm>>
    %dma_start3A_291 = arith.constant 0 : i32
    %dma_start3A_292 = tpu.memref_slice %arg4[%add3A_288, %dma_start3A_291] : memref<204800x128xf32, #tpu.memory_space<hbm>> -> memref<400x128xf32, #tpu.memory_space<hbm>>
    tpu.enqueue_dma source(%arg6 : memref<400x128xf32, #tpu.memory_space<vmem>>) target(%dma_start3A_292 : memref<400x128xf32, #tpu.memory_space<hbm>>) target_semaphore(%arg10 : memref<!tpu.dma_semaphore, #tpu.memory_space<semaphore_mem>>)
    %dma_wait3A_293 = arith.constant 0 : i32
    %dma_wait3A_294 = tpu.memref_slice %arg4[%add3A_268, %dma_wait3A_293] : memref<204800x128xf32, #tpu.memory_space<hbm>> -> memref<400x128xf32, #tpu.memory_space<hbm>>
    %dma_wait3A_295 = arith.constant 0 : i32
    %dma_wait3A_296 = tpu.memref_slice %arg4[%add3A_268, %dma_wait3A_295] : memref<204800x128xf32, #tpu.memory_space<hbm>> -> memref<400x128xf32, #tpu.memory_space<hbm>>
    tpu.wait_dma2 semaphore(%arg11 : memref<!tpu.dma_semaphore, #tpu.memory_space<semaphore_mem>>) src(%arg7 : memref<400x128xf32, #tpu.memory_space<vmem>>) dst(%dma_wait3A_296 : memref<400x128xf32, #tpu.memory_space<hbm>>)
    %dma_start3A_297 = arith.constant 6000 : i32
    %dma_start3A_298 = tpu.memref_slice %arg5[%dma_start3A_297] : memref<6400xi32, #tpu.memory_space<vmem>> -> memref<400xi32, #tpu.memory_space<vmem>>
    %dma_start3A_299 = arith.constant 0 : i32
    %dma_start3A_300 = arith.constant 0 : i32
    %dma_start3A_301 = tpu.memref_slice %arg2[%dma_start3A_299, %dma_start3A_300] : memref<100000x128xf32, #tpu.memory_space<hbm>> -> memref<100000x128xf32, #tpu.memory_space<hbm>>
    tpu.enqueue_indirect_dma source(%dma_start3A_301 : memref<100000x128xf32, #tpu.memory_space<hbm>>) target(%arg7 : memref<400x128xf32, #tpu.memory_space<vmem>>) offsets(%dma_start3A_298 : memref<400xi32, #tpu.memory_space<vmem>>) semaphore(%arg9 : memref<!tpu.dma_semaphore, #tpu.memory_space<semaphore_mem>>)
    %dma_wait3A_302 = arith.constant 6000 : i32
    %dma_wait3A_303 = tpu.memref_slice %arg5[%dma_wait3A_302] : memref<6400xi32, #tpu.memory_space<vmem>> -> memref<400xi32, #tpu.memory_space<vmem>>
    %dma_wait3A_304 = arith.constant 0 : i32
    %dma_wait3A_305 = arith.constant 0 : i32
    %dma_wait3A_306 = tpu.memref_slice %arg2[%dma_wait3A_304, %dma_wait3A_305] : memref<100000x128xf32, #tpu.memory_space<hbm>> -> memref<100000x128xf32, #tpu.memory_space<hbm>>
    tpu.wait_indirect_dma semaphore(%arg9 : memref<!tpu.dma_semaphore, #tpu.memory_space<semaphore_mem>>) src(%dma_wait3A_306 : memref<100000x128xf32, #tpu.memory_space<hbm>>) dst(%arg7 : memref<400x128xf32, #tpu.memory_space<vmem>>)
    %add3A_307 = arith.constant 6000 : i32
    %add3A_308 = arith.addi %mul3A_2, %add3A_307 : i32
    %dma_start3A_309 = arith.constant 0 : i32
    %dma_start3A_310 = tpu.memref_slice %arg4[%add3A_308, %dma_start3A_309] : memref<204800x128xf32, #tpu.memory_space<hbm>> -> memref<400x128xf32, #tpu.memory_space<hbm>>
    %dma_start3A_311 = arith.constant 0 : i32
    %dma_start3A_312 = tpu.memref_slice %arg4[%add3A_308, %dma_start3A_311] : memref<204800x128xf32, #tpu.memory_space<hbm>> -> memref<400x128xf32, #tpu.memory_space<hbm>>
    tpu.enqueue_dma source(%arg7 : memref<400x128xf32, #tpu.memory_space<vmem>>) target(%dma_start3A_312 : memref<400x128xf32, #tpu.memory_space<hbm>>) target_semaphore(%arg11 : memref<!tpu.dma_semaphore, #tpu.memory_space<semaphore_mem>>)
    %dma_wait3A_313 = arith.constant 0 : i32
    %dma_wait3A_314 = tpu.memref_slice %arg4[%add3A_288, %dma_wait3A_313] : memref<204800x128xf32, #tpu.memory_space<hbm>> -> memref<400x128xf32, #tpu.memory_space<hbm>>
    %dma_wait3A_315 = arith.constant 0 : i32
    %dma_wait3A_316 = tpu.memref_slice %arg4[%add3A_288, %dma_wait3A_315] : memref<204800x128xf32, #tpu.memory_space<hbm>> -> memref<400x128xf32, #tpu.memory_space<hbm>>
    tpu.wait_dma2 semaphore(%arg10 : memref<!tpu.dma_semaphore, #tpu.memory_space<semaphore_mem>>) src(%arg6 : memref<400x128xf32, #tpu.memory_space<vmem>>) dst(%dma_wait3A_316 : memref<400x128xf32, #tpu.memory_space<hbm>>)
    %dma_wait3A_317 = arith.constant 0 : i32
    %dma_wait3A_318 = tpu.memref_slice %arg4[%add3A_308, %dma_wait3A_317] : memref<204800x128xf32, #tpu.memory_space<hbm>> -> memref<400x128xf32, #tpu.memory_space<hbm>>
    %dma_wait3A_319 = arith.constant 0 : i32
    %dma_wait3A_320 = tpu.memref_slice %arg4[%add3A_308, %dma_wait3A_319] : memref<204800x128xf32, #tpu.memory_space<hbm>> -> memref<400x128xf32, #tpu.memory_space<hbm>>
    tpu.wait_dma2 semaphore(%arg11 : memref<!tpu.dma_semaphore, #tpu.memory_space<semaphore_mem>>) src(%arg7 : memref<400x128xf32, #tpu.memory_space<vmem>>) dst(%dma_wait3A_320 : memref<400x128xf32, #tpu.memory_space<hbm>>)
    return
  }
}

</mosaic_0001>

<sc_bundles>
// kernel: _embed.3.cloned.1.call-start
scs
__scs_entry_jumppad:
0x0: {  	(pc) =	sbr.rel $0x88, $3  }
0x1: {  	(tag) =	ssettag $0x0;
	lr =	simm.s32 $0x1  }
0x2: {  	[smem:$0x3F9F] =	sst lr;
	_ =	strace $0xD0000000  }
0x3: {  	_ = 	snop  }
0x4: {  	_ = 	snop  }
0x5: {  	_ = 	snop  }
0x6: {  	_ = 	snop  }
0x7: {  	_ = 	snop  }
__scs_overlays_trampoline_lowered:
0x8: {  	[smem:$0x3FAE] =	sst s0  }
0x9: {  	[smem:$0x3FAF] =	sst s1  }
0xa: {  	[smem:$0x3FB0] =	sst s2  }
0xb: {  	[smem:$0x3FB1] =	sst s3  }
0xc: {  	[smem:$0x3FB2] =	sst s4  }
0xd: {  	[smem:$0x3FB3] =	sst s5  }
0xe: {  	[smem:$0x3FB4] =	sst s6  }
0xf: {  	[smem:$0x3FB5] =	sst s7  }
0x10: {  	[smem:$0x3FB6] =	sst s8  }
0x11: {  	[smem:$0x3FB7] =	sst s9;
	s0 =	simm.s32 @!p0 $0x0  }
0x12: {  	s1 =	sld [smem:$0x3F9D];
	s0 =	simm.s32 @p0 $0x1  }
0x13: {  	[smem:$0x3FB8] =	sst s0;
	s0 =	simm.s32 @!p1 $0x0  }
0x14: {  	s2 =	sld [smem:$0x3F9C];
	s0 =	simm.s32 @p1 $0x1  }
0x15: {  	[smem:$0x3FB9] =	sst s0;
	s0 =	simm.s32 @!p2 $0x0  }
0x16: {  	s3 =	sld [smem:$0x3FDB];
	s0 =	simm.s32 @p2 $0x1  }
0x17: {  	s4 =	simm.s32 $0x1BF5;
	[smem:$0x3FBB] =	sst s0  }
0x18: {  	s0 =	sld [smem:$0x3F9E];
	_ =	swait.ge [sflag:s4], $0x0  }
0x19: {  	s7 =	sld [smem:$0x3F9F]  }
0x1a: {  	s8 =	sadd.s32 $0xFFFFE003, lr  }
0x1b: {  	s9 =	sadd.s32 $0xFFFFFEF7, lr;
	s5 =	simm.s32 $0xFFFFFFFF;
	p2 =	slt.u32 s8, $0xFFFFF086  }
0x1c: {  	p1 =	slt.u32 s9, $0xF7A;
	s5 =	simm.s32 @!p2 $0x0  }
0x1d: {  	s5 =	simm.s32 @p1 $0x1;
	p0 =	seq.s32 s7, s2  }
0x1e: {  	s7 =	smul.u32 @!p0 $0xF7A, s2;
	p2 =	seq.s32 @!p0 s5, $0x0  }
0x1f: {  	s9 =	smul.u32 $0xF7A, s1;
	s8 =	simm.s32 @!p0 $0x1BF5;
	p2 =	por !p2, p0  }
0x20: {  	[sflag:s8] =	ssyncset.s32 @!p0 $0xFFFFF086;
	s6 =	sadd.s32 @!p0 s3, s7;
	s7 =	simm.s32 @!p0 $0x108  }
0x21: {  	s3 =	sadd.s32 s3, s9;
	s6 =	sadd.s32 @!p0 $0x88, s6;
	s7 =	simm.s32 @p2 $0x1082  }
0x22: {  	[simem:s7], [sflag:s8] =	dma.local @!p0 [hbm:s6], $0xF7A  }
0x23: {  	s9 =	sor.u32 $0xD0000000, s2;
	s6 =	simm.s32 $0x108;
	_ =	swait.ge @!p0 [sflag:s8], $0x0  }
0x24: {  	s3 =	sadd.s32 $0x88, s3;
	s6 =	simm.s32 @!p1 $0x1082;
	[sflag:s4] =	ssyncset.s32 $0xFFFFF086  }
0x25: {  	[simem:s6], [sflag:s4] =	dma.local [hbm:s3], $0xF7A  }
0x26: {  	[smem:$0x3F9F] =	sst s1;
	(tag) =	ssettag s2;
	_ =	strace s9  }
0x27: {  	s1 =	sld [smem:$0x3FAF]  }
0x28: {  	s2 =	sld [smem:$0x3FB0]  }
0x29: {  	s4 =	sld [smem:$0x3FB2]  }
0x2a: {  	p0 =	seq.s32 s5, $0x0;
	s5 =	sld [smem:$0x3FB3]  }
0x2b: {  	s6 =	sld [smem:$0x3FB4]  }
0x2c: {  	s7 =	sld [smem:$0x3FB5]  }
0x2d: {  	s3 =	simm.s32 $0x108;
	s8 =	sld [smem:$0x3FB6]  }
0x2e: {  	s3 =	simm.s32 @!p0 $0x1082;
	s9 =	sld [smem:$0x3FB7]  }
0x2f: {  	lr =	sadd.s32 s0, s3;
	s0 =	sld [smem:$0x3FAE]  }
0x30: {  	s3 =	sld [smem:$0x3FB1]  }
0x31: {  	[smem:$0x3FBA] =	sst s10  }
0x32: {  	s10 =	sld [smem:$0x3FB8];
	_ =	sdelay $0x3  }
0x33: {  	p0 =	seq.s32 s10, $0x1;
	s10 =	sld [smem:$0x3FBA];
	_ =	sdelay $0x3  }
0x34: {  	[smem:$0x3FBA] =	sst s10  }
0x35: {  	s10 =	sld [smem:$0x3FB9];
	_ =	sdelay $0x3  }
0x36: {  	p1 =	seq.s32 s10, $0x1;
	s10 =	sld [smem:$0x3FBA];
	_ =	sdelay $0x3  }
0x37: {  	[smem:$0x3FBA] =	sst s10  }
0x38: {  	s10 =	sld [smem:$0x3FBB]  }
0x39: {  	_ = 	snop;
	(pc) =	sbr.ind lr, $3  }
0x3a: {  	_ = 	snop  }
0x3b: {  	_ = 	snop  }
0x3c: {  	p2 =	seq.s32 s10, $0x1;
	s10 =	sld [smem:$0x3FBA]  }
0x3d: {  	_ =	shalt  }
0x3e: {  	_ =	shalt  }
0x3f: {  	_ =	shalt  }
0x40: {  	_ =	shalt  }
0x41: {  	_ =	shalt  }
0x42: {  	_ =	shalt  }
0x43: {  	_ =	shalt  }
0x44: {  	_ =	shalt  }
0x45: {  	_ =	shalt  }
0x46: {  	_ =	shalt  }
0x47: {  	_ =	shalt  }
0x48: {  	_ =	shalt  }
0x49: {  	_ =	shalt  }
0x4a: {  	_ =	shalt  }
0x4b: {  	_ =	shalt  }
0x4c: {  	_ =	shalt  }
0x4d: {  	_ =	shalt  }
0x4e: {  	_ =	shalt  }
0x4f: {  	_ =	shalt  }
0x50: {  	_ =	shalt  }
0x51: {  	_ =	shalt  }
0x52: {  	_ =	shalt  }
0x53: {  	_ =	shalt  }
0x54: {  	_ =	shalt  }
0x55: {  	_ =	shalt  }
0x56: {  	_ =	shalt  }
0x57: {  	_ =	shalt  }
0x58: {  	_ =	shalt  }
0x59: {  	_ =	shalt  }
0x5a: {  	_ =	shalt  }
0x5b: {  	_ =	shalt  }
0x5c: {  	_ =	shalt  }
0x5d: {  	_ =	shalt  }
0x5e: {  	_ =	shalt  }
0x5f: {  	_ =	shalt  }
0x60: {  	_ =	shalt  }
0x61: {  	_ =	shalt  }
0x62: {  	_ =	shalt  }
0x63: {  	_ =	shalt  }
0x64: {  	_ =	shalt  }
0x65: {  	_ =	shalt  }
0x66: {  	_ =	shalt  }
0x67: {  	_ =	shalt  }
0x68: {  	_ =	shalt  }
0x69: {  	_ =	shalt  }
0x6a: {  	_ =	shalt  }
0x6b: {  	_ =	shalt  }
0x6c: {  	_ =	shalt  }
0x6d: {  	_ =	shalt  }
0x6e: {  	_ =	shalt  }
0x6f: {  	_ =	shalt  }
0x70: {  	_ =	shalt  }
0x71: {  	_ =	shalt  }
0x72: {  	_ =	shalt  }
0x73: {  	_ =	shalt  }
0x74: {  	_ =	shalt  }
0x75: {  	_ =	shalt  }
0x76: {  	_ =	shalt  }
0x77: {  	_ =	shalt  }
0x78: {  	_ =	shalt  }
0x79: {  	_ =	shalt  }
0x7a: {  	_ =	shalt  }
0x7b: {  	_ =	shalt  }
0x7c: {  	_ =	shalt  }
0x7d: {  	_ =	shalt  }
0x7e: {  	_ =	shalt  }
0x7f: {  	_ =	shalt  }
0x80: {  	_ =	shalt  }
0x81: {  	_ =	shalt  }
0x82: {  	_ =	shalt  }
0x83: {  	_ =	shalt  }
0x84: {  	_ =	shalt  }
0x85: {  	_ =	shalt  }
0x86: {  	_ =	shalt  }
0x87: {  	_ =	shalt  }
.Lfunc_end0:
.L_simem_size_0:
called_computation_lowered:
.L_overlay_start_0:
0x88: {  	s2 =	sld [smem:$0x3FD9]  }
0x89: {  	s3 =	sld [smem:$0x3FFE];
	_ =	sdelay $0x1  }
0x8a: {  	s1 =	srdreg.scid  }
0x8b: {  	s0 =	sand.u32 $0x1, s1  }
0x8c: {  	s18 =	sshll.u32 s0, $0xA;
	s2 =	sadd.s32 s3, s2  }
0x8d: {  	s2 =	sadd.s32 s2, s18  }
0x8e: {  	[smem:$0x3FC6] =	sst s2  }
0x8f: {  	_ = 	snop  }
0x90: {  	s2 =	sld [smem:$0x3FC9]  }
0x91: {  	s19 =	sld [smem:$0x3FC8]  }
0x92: {  	s4 =	sld [smem:$0x3FD0];
	(tm) =	ssettm $0x1  }
0x93: {  	s5 =	sld [smem:$0x3FFB];
	_ =	sdelay $0x3  }
0x94: {  	_ =	strace s5  }
0x95: {  	s5 =	sld [smem:$0x3FFC];
	_ =	sdelay $0x3  }
0x96: {  	_ =	strace s5  }
0x97: {  	s5 =	sld [smem:$0x3FFD];
	_ =	sdelay $0x3  }
0x98: {  	_ =	strace s5  }
0x99: {  	_ =	strace $0x8FFFFFFF  }
0x9a: {  	s20 =	sld [smem:$0x3FDB];
	_ =	sdelay $0x1  }
0x9b: {  	s6 =	simm.s32 $_scs_section_size  }
0x9c: {  	s7 =	simm.s32 $_size__tile_overlayer_lowered;
	s8 =	simm.s32 $_tile_overlayer_lowered  }
0x9d: {  	s23 =	simm.s32 $0x1BFF;
	s22 =	sshll.u32 s8, $0x1;
	s5 =	sadd.s32 s6, s20  }
0x9e: {  	s9 =	simm.s32 $0x0;
	s21 =	sshll.u32 s7, $0x1;
	s7 =	sadd.s32 s22, s5  }
0x9f: {  	[timem:s9], [sflag:s23] =	dma.local [hbm:s7], s21  }
0xa0: {  	_ =	swait.ge [sflag:s23], s21  }
0xa1: {  	s6 =	ssub.s32 $0x0, s21;
	[sflag:s23] =	ssyncset.done $0x0  }
0xa2: {  	[sflag:s23] =	ssyncadd.s32 s6;
	_ =	sdelay $0x1  }
0xa3: {  	s24 =	simm.s32 $0x1B8B  }
0xa4: {  	_ =	swait.ge [sflag:s24], $0x1  }
0xa5: {  	[sflag:s24] =	ssyncset.done $0x0  }
0xa6: {  	s25 =	simm.s32 $0x1B8E;
	[sflag:s24] =	ssyncadd.s32 $0xFFFFFFFF  }
0xa7: {  	s26 =	simm.s32 $execute0_lowered;
	[smem:$0x3FD2] =	sst s25  }
0xa8: {  	s6 =	sshll.u32 s26, $0x1;
	_ =	strace $0x80000046;
	[dreg:$0x1] =	wrdreg $0xFFFFFFFF  }
0xa9: {  	s28 =	simm.s32 $_size_execute0_lowered;
	s5 =	sadd.s32 s5, s6;
	[dreg:$0x0] =	wrdreg $0x0  }
0xaa: {  	s6 =	sshll.u32 s28, $0x1;
	[dreg:$0x2] =	wrdreg s5  }
0xab: {  	[dreg:$0x3] =	wrdreg s6  }
0xac: {  	[dreg:$0x4] =	wrdreg $0xC0  }
0xad: {  	_ =	task [dreg:s9], $0x5FFFF  }
0xae: {  	[dreg:$0x1] =	wrdreg $0xFFFFFFFF  }
0xaf: {  	[dreg:$0x0] =	wrdreg $0x60  }
0xb0: {  	[dreg:$0x2] =	wrdreg s2  }
0xb1: {  	[dreg:$0x3] =	wrdreg s19  }
0xb2: {  	[dreg:$0x4] =	wrdreg s4  }
0xb3: {  	[dreg:$0x5] =	wrdreg $0x9  }
0xb4: {  	_ =	task.clear_ibuf [dreg:s9], $0x6FFFF;
	_ =	strace $0x90000046  }
0xb5: {  	s29 =	simm.s32 $0x9;
	_ =	strace $0x80000048  }
0xb6: {  	_ =	swait.ge [sflag:s29], $0x1  }
0xb7: {  	[sflag:s29] =	ssyncadd.s32 $0xFFFFFFFF  }
0xb8: {  	_ =	strace $0x90000048  }
0xb9: {  	_ =	sfence  }
0xba: {  	s30 =	sld [smem:$0x0];
	_ =	sdelay $0x2  }
0xbb: {  	s31 =	sshll.u32 s1, $0xD;
	s1 =	sshrl.u32 s1, $0x2  }
0xbc: {  	s3 =	sand.u32 $0x4000, s31;
	s1 =	sadd.s32 s1, s30  }
0xbd: {  	s0 =	sor.u32 s3, s0;
	s1 =	sshll.u32 s1, $0x11  }
0xbe: {  	s0 =	sor.u32 s1, s0  }
0xbf: {  	s0 =	sadd.s32 $0x8F2B, s0  }
0xc0: {  	[sflag:s0] =	ssyncadd.remote.s32 $0x1  }
0xc1: {  	_ =	sfence.sel $0xFFFF  }
0xc2: {  	[dreg:$0x0] =	wrdreg $0xFFFFFFFF;
	(pc) =	sbr.abs _section_cstart, $3  }
0xc3: {  	[dreg:$0x1] =	wrdreg $0xFFFFFFFF  }
0xc4: {  	_ =	task.clear_ibuf [dreg:s9], $0x2FFFF;
	_ =	strace $0x9FFFFFFF  }
0xc5: {  	(tm) =	ssettm $0x7FFFFFFF  }
tec
execute0_lowered:
.L_overlay_start_1:
0x0: {  	(tag) =	ssettag $0x1  }
0x1: {  	s1 =	srdreg.scid;
	s0 =	stileid.u32  }
0x2: {  	s1 =	sand.u32 $0x1, s1;
	s3 =	sshll.u32 s0, $0x1  }
0x3: {  	s5 =	sor.u32 s1, s3  }
0x4: {  	s2 =	rddreg [dreg:$0x0];
	s7 =	smul.u32 $0x320, s5  }
0x5: {  	s4 =	rddreg [dreg:$0x1];
	s3 =	simm.s32 $0x0;
	s8 =	smul.u32 $0xC8000, s5  }
0x6: {  	[smem:$0x7FF] =	sst s3;
	s5 =	smul.u32 $0x19000, s5  }
0x7: {  	s6 =	rddreg [dreg:$0x2];
	_ =	strace $0x80000047;
	s4 =	sadd.s32 s4, s7  }
0x8: {  	s13 =	sshrl.u32 s8, $0x3;
	s14 =	sadd.s32 s6, s5;
	[dreg:$0x4] =	wrdreg s4  }
0x9: {  	s31 =	sadd.s32 s6, s13;
	[dreg:$0x5] =	wrdreg s14  }
0xa: {  	s15 =	sadd.s32 $0x1900, s31;
	s24 =	rddreg [dreg:$0x4]  }
0xb: {  	s16 =	sadd.s32 $0x3200, s31;
	[dreg:$0x6] =	wrdreg s15  }
0xc: {  	s17 =	sadd.s32 $0x4B00, s31;
	[dreg:$0x7] =	wrdreg s16  }
0xd: {  	s18 =	sadd.s32 $0x6400, s31;
	[dreg:$0x8] =	wrdreg s17  }
0xe: {  	s19 =	sadd.s32 $0x7D00, s31;
	[dreg:$0x9] =	wrdreg s18  }
0xf: {  	s20 =	sadd.s32 $0x9600, s31;
	[dreg:$0xa] =	wrdreg s19  }
0x10: {  	s21 =	sadd.s32 $0xAF00, s31;
	[dreg:$0xb] =	wrdreg s20  }
0x11: {  	s22 =	sadd.s32 $0xC800, s31;
	[dreg:$0xc] =	wrdreg s21  }
0x12: {  	s23 =	sadd.s32 $0xE100, s31;
	[dreg:$0xd] =	wrdreg s22  }
0x13: {  	s25 =	sadd.s32 $0xFA00, s31;
	[dreg:$0xe] =	wrdreg s23  }
0x14: {  	s4 =	simm.s32 $0x5;
	[dreg:$0xf] =	wrdreg s25  }
0x15: {  	[tilespmem:s3], [sflag:$0x5] =	stream.linear.gather [hbm4b:s24+s3], $0x1900, $0x38;
	[tilespmem:$0x1A900] =	vst v63  }
0x16: {  	_ =	swait.ge [sflag:s4], $0x1900  }
0x17: {  	s5 =	simm.s32 $0x190;
	[sflag:s4] =	ssyncset.done $0x0  }
0x18: {  	s7 =	simm.s32 $0x1;
	s6 =	simm.s32 $0x1900;
	[sflag:s4] =	ssyncadd.s32 $0xFFFFE700  }
0x19: {  	[tilespmem:s6], [sflag:$0x1] =	stream.indirect.gather [hbm4b:s2+s5], $0x80, s3, s5, $0xb8;
	[tilespmem:$0x1A900] =	vst v63  }
0x1a: {  	_ =	swait.ge [sflag:s7], $0xC800  }
0x1b: {  	[sflag:s7] =	ssyncset.done $0x0  }
0x1c: {  	s26 =	rddreg [dreg:$0x5];
	[sflag:s7] =	ssyncadd.s32 $0xFFFF3800  }
0x1d: {  	[hbm4b:s26+s3] =	stream.linear.scatter [tilespmem:s6], [sflag:$0x3], $0xC800, $0x38;
	[tilespmem:$0x1A900] =	vst v63  }
0x1e: {  	s9 =	simm.s32 $0x2;
	s8 =	simm.s32 $0xE100  }
0x1f: {  	[tilespmem:s8], [sflag:$0x2] =	stream.indirect.gather [hbm4b:s2+s5], $0x80, s5, s5, $0xb8;
	[tilespmem:$0x1A900] =	vst v63  }
0x20: {  	_ =	swait.ge [sflag:s9], $0xC800  }
0x21: {  	[sflag:s9] =	ssyncset.done $0x0  }
0x22: {  	s10 =	simm.s32 $0x3;
	s11 =	rddreg [dreg:$0x6];
	[sflag:s9] =	ssyncadd.s32 $0xFFFF3800  }
0x23: {  	[hbm4b:s11+s3] =	stream.linear.scatter [tilespmem:s8], [sflag:$0x4], $0xC800, $0x38;
	[tilespmem:$0x1A900] =	vst v63  }
0x24: {  	_ =	swait.ge [sflag:s10], $0xC800  }
0x25: {  	[sflag:s10] =	ssyncset.done $0x0  }
0x26: {  	s11 =	simm.s32 $0x320;
	[sflag:s10] =	ssyncadd.s32 $0xFFFF3800  }
0x27: {  	[tilespmem:s6], [sflag:$0x1] =	stream.indirect.gather [hbm4b:s2+s5], $0x80, s11, s5, $0xb8;
	[tilespmem:$0x1A900] =	vst v63  }
0x28: {  	_ =	swait.ge [sflag:s7], $0xC800  }
0x29: {  	[sflag:s7] =	ssyncset.done $0x0  }
0x2a: {  	s12 =	simm.s32 $0x4;
	s13 =	rddreg [dreg:$0x7];
	[sflag:s7] =	ssyncadd.s32 $0xFFFF3800  }
0x2b: {  	[hbm4b:s13+s3] =	stream.linear.scatter [tilespmem:s6], [sflag:$0x3], $0xC800, $0x38;
	[tilespmem:$0x1A900] =	vst v63  }
0x2c: {  	_ =	swait.ge [sflag:s12], $0xC800  }
0x2d: {  	[sflag:s12] =	ssyncset.done $0x0  }
0x2e: {  	s13 =	simm.s32 $0x4B0;
	[sflag:s12] =	ssyncadd.s32 $0xFFFF3800  }
0x2f: {  	[tilespmem:s8], [sflag:$0x2] =	stream.indirect.gather [hbm4b:s2+s5], $0x80, s13, s5, $0xb8;
	[tilespmem:$0x1A900] =	vst v63  }
0x30: {  	_ =	swait.ge [sflag:s9], $0xC800  }
0x31: {  	[sflag:s9] =	ssyncset.done $0x0  }
0x32: {  	s14 =	rddreg [dreg:$0x8];
	[sflag:s9] =	ssyncadd.s32 $0xFFFF3800  }
0x33: {  	[hbm4b:s14+s3] =	stream.linear.scatter [tilespmem:s8], [sflag:$0x4], $0xC800, $0x38;
	[tilespmem:$0x1A900] =	vst v63  }
0x34: {  	_ =	swait.ge [sflag:s10], $0xC800  }
0x35: {  	[sflag:s10] =	ssyncset.done $0x0  }
0x36: {  	s14 =	simm.s32 $0x640;
	[sflag:s10] =	ssyncadd.s32 $0xFFFF3800  }
0x37: {  	[tilespmem:s6], [sflag:$0x1] =	stream.indirect.gather [hbm4b:s2+s5], $0x80, s14, s5, $0xb8;
	[tilespmem:$0x1A900] =	vst v63  }
0x38: {  	_ =	swait.ge [sflag:s7], $0xC800  }
0x39: {  	[sflag:s7] =	ssyncset.done $0x0  }
0x3a: {  	s15 =	rddreg [dreg:$0x9];
	[sflag:s7] =	ssyncadd.s32 $0xFFFF3800  }
0x3b: {  	[hbm4b:s15+s3] =	stream.linear.scatter [tilespmem:s6], [sflag:$0x3], $0xC800, $0x38;
	[tilespmem:$0x1A900] =	vst v63  }
0x3c: {  	_ =	swait.ge [sflag:s12], $0xC800  }
0x3d: {  	[sflag:s12] =	ssyncset.done $0x0  }
0x3e: {  	s15 =	simm.s32 $0x7D0;
	[sflag:s12] =	ssyncadd.s32 $0xFFFF3800  }
0x3f: {  	[tilespmem:s8], [sflag:$0x2] =	stream.indirect.gather [hbm4b:s2+s5], $0x80, s15, s5, $0xb8;
	[tilespmem:$0x1A900] =	vst v63  }
0x40: {  	_ =	swait.ge [sflag:s9], $0xC800  }
0x41: {  	[sflag:s9] =	ssyncset.done $0x0  }
0x42: {  	s16 =	rddreg [dreg:$0xa];
	[sflag:s9] =	ssyncadd.s32 $0xFFFF3800  }
0x43: {  	[hbm4b:s16+s3] =	stream.linear.scatter [tilespmem:s8], [sflag:$0x4], $0xC800, $0x38;
	[tilespmem:$0x1A900] =	vst v63  }
0x44: {  	_ =	swait.ge [sflag:s10], $0xC800  }
0x45: {  	[sflag:s10] =	ssyncset.done $0x0  }
0x46: {  	s16 =	simm.s32 $0x960;
	[sflag:s10] =	ssyncadd.s32 $0xFFFF3800  }
0x47: {  	[tilespmem:s6], [sflag:$0x1] =	stream.indirect.gather [hbm4b:s2+s5], $0x80, s16, s5, $0xb8;
	[tilespmem:$0x1A900] =	vst v63  }
0x48: {  	_ =	swait.ge [sflag:s7], $0xC800  }
0x49: {  	[sflag:s7] =	ssyncset.done $0x0  }
0x4a: {  	s17 =	rddreg [dreg:$0xb];
	[sflag:s7] =	ssyncadd.s32 $0xFFFF3800  }
0x4b: {  	[hbm4b:s17+s3] =	stream.linear.scatter [tilespmem:s6], [sflag:$0x3], $0xC800, $0x38;
	[tilespmem:$0x1A900] =	vst v63  }
0x4c: {  	_ =	swait.ge [sflag:s12], $0xC800  }
0x4d: {  	[sflag:s12] =	ssyncset.done $0x0  }
0x4e: {  	s17 =	simm.s32 $0xAF0;
	[sflag:s12] =	ssyncadd.s32 $0xFFFF3800  }
0x4f: {  	[tilespmem:s8], [sflag:$0x2] =	stream.indirect.gather [hbm4b:s2+s5], $0x80, s17, s5, $0xb8;
	[tilespmem:$0x1A900] =	vst v63  }
0x50: {  	_ =	swait.ge [sflag:s9], $0xC800  }
0x51: {  	[sflag:s9] =	ssyncset.done $0x0  }
0x52: {  	s18 =	rddreg [dreg:$0xc];
	[sflag:s9] =	ssyncadd.s32 $0xFFFF3800  }
0x53: {  	[hbm4b:s18+s3] =	stream.linear.scatter [tilespmem:s8], [sflag:$0x4], $0xC800, $0x38;
	[tilespmem:$0x1A900] =	vst v63  }
0x54: {  	_ =	swait.ge [sflag:s10], $0xC800  }
0x55: {  	[sflag:s10] =	ssyncset.done $0x0  }
0x56: {  	s18 =	simm.s32 $0xC80;
	[sflag:s10] =	ssyncadd.s32 $0xFFFF3800  }
0x57: {  	[tilespmem:s6], [sflag:$0x1] =	stream.indirect.gather [hbm4b:s2+s5], $0x80, s18, s5, $0xb8;
	[tilespmem:$0x1A900] =	vst v63  }
0x58: {  	_ =	swait.ge [sflag:s7], $0xC800  }
0x59: {  	[sflag:s7] =	ssyncset.done $0x0  }
0x5a: {  	s19 =	rddreg [dreg:$0xd];
	[sflag:s7] =	ssyncadd.s32 $0xFFFF3800  }
0x5b: {  	[hbm4b:s19+s3] =	stream.linear.scatter [tilespmem:s6], [sflag:$0x3], $0xC800, $0x38;
	[tilespmem:$0x1A900] =	vst v63  }
0x5c: {  	_ =	swait.ge [sflag:s12], $0xC800  }
0x5d: {  	[sflag:s12] =	ssyncset.done $0x0  }
0x5e: {  	s19 =	simm.s32 $0xE10;
	[sflag:s12] =	ssyncadd.s32 $0xFFFF3800  }
0x5f: {  	[tilespmem:s8], [sflag:$0x2] =	stream.indirect.gather [hbm4b:s2+s5], $0x80, s19, s5, $0xb8;
	[tilespmem:$0x1A900] =	vst v63  }
0x60: {  	_ =	swait.ge [sflag:s9], $0xC800  }
0x61: {  	[sflag:s9] =	ssyncset.done $0x0  }
0x62: {  	s20 =	rddreg [dreg:$0xe];
	[sflag:s9] =	ssyncadd.s32 $0xFFFF3800  }
0x63: {  	[hbm4b:s20+s3] =	stream.linear.scatter [tilespmem:s8], [sflag:$0x4], $0xC800, $0x38;
	[tilespmem:$0x1A900] =	vst v63  }
0x64: {  	_ =	swait.ge [sflag:s10], $0xC800  }
0x65: {  	[sflag:s10] =	ssyncset.done $0x0  }
0x66: {  	s20 =	simm.s32 $0xFA0;
	[sflag:s10] =	ssyncadd.s32 $0xFFFF3800  }
0x67: {  	[tilespmem:s6], [sflag:$0x1] =	stream.indirect.gather [hbm4b:s2+s5], $0x80, s20, s5, $0xb8;
	[tilespmem:$0x1A900] =	vst v63  }
0x68: {  	_ =	swait.ge [sflag:s7], $0xC800  }
0x69: {  	[sflag:s7] =	ssyncset.done $0x0  }
0x6a: {  	s21 =	rddreg [dreg:$0xf];
	[sflag:s7] =	ssyncadd.s32 $0xFFFF3800  }
0x6b: {  	[hbm4b:s21+s3] =	stream.linear.scatter [tilespmem:s6], [sflag:$0x3], $0xC800, $0x38;
	[tilespmem:$0x1A900] =	vst v63  }
0x6c: {  	_ =	swait.ge [sflag:s12], $0xC800  }
0x6d: {  	[sflag:s12] =	ssyncset.done $0x0  }
0x6e: {  	s21 =	simm.s32 $0x1130;
	[sflag:s12] =	ssyncadd.s32 $0xFFFF3800  }
0x6f: {  	[tilespmem:s8], [sflag:$0x2] =	stream.indirect.gather [hbm4b:s2+s5], $0x80, s21, s5, $0xb8;
	[tilespmem:$0x1A900] =	vst v63  }
0x70: {  	_ =	swait.ge [sflag:s9], $0xC800  }
0x71: {  	[sflag:s9] =	ssyncset.done $0x0  }
0x72: {  	s22 =	sadd.s32 $0x11300, s31;
	[sflag:s9] =	ssyncadd.s32 $0xFFFF3800  }
0x73: {  	[hbm4b:s22+s3] =	stream.linear.scatter [tilespmem:s8], [sflag:$0x4], $0xC800, $0x38;
	[tilespmem:$0x1A900] =	vst v63  }
0x74: {  	_ =	swait.ge [sflag:s10], $0xC800  }
0x75: {  	[sflag:s10] =	ssyncset.done $0x0  }
0x76: {  	s23 =	simm.s32 $0x12C0;
	[sflag:s10] =	ssyncadd.s32 $0xFFFF3800  }
0x77: {  	[tilespmem:s6], [sflag:$0x1] =	stream.indirect.gather [hbm4b:s2+s5], $0x80, s23, s5, $0xb8;
	[tilespmem:$0x1A900] =	vst v63  }
0x78: {  	_ =	swait.ge [sflag:s7], $0xC800  }
0x79: {  	[sflag:s7] =	ssyncset.done $0x0  }
0x7a: {  	s24 =	sadd.s32 $0x12C00, s31;
	[sflag:s7] =	ssyncadd.s32 $0xFFFF3800  }
0x7b: {  	[hbm4b:s24+s3] =	stream.linear.scatter [tilespmem:s6], [sflag:$0x3], $0xC800, $0x38;
	[tilespmem:$0x1A900] =	vst v63  }
0x7c: {  	_ =	swait.ge [sflag:s12], $0xC800  }
0x7d: {  	[sflag:s12] =	ssyncset.done $0x0  }
0x7e: {  	s25 =	simm.s32 $0x1450;
	[sflag:s12] =	ssyncadd.s32 $0xFFFF3800  }
0x7f: {  	[tilespmem:s8], [sflag:$0x2] =	stream.indirect.gather [hbm4b:s2+s5], $0x80, s25, s5, $0xb8;
	[tilespmem:$0x1A900] =	vst v63  }
0x80: {  	_ =	swait.ge [sflag:s9], $0xC800  }
0x81: {  	[sflag:s9] =	ssyncset.done $0x0  }
0x82: {  	s26 =	sadd.s32 $0x14500, s31;
	[sflag:s9] =	ssyncadd.s32 $0xFFFF3800  }
0x83: {  	[hbm4b:s26+s3] =	stream.linear.scatter [tilespmem:s8], [sflag:$0x4], $0xC800, $0x38;
	[tilespmem:$0x1A900] =	vst v63  }
0x84: {  	_ =	swait.ge [sflag:s10], $0xC800  }
0x85: {  	[sflag:s10] =	ssyncset.done $0x0  }
0x86: {  	s28 =	simm.s32 $0x15E0;
	[sflag:s10] =	ssyncadd.s32 $0xFFFF3800  }
0x87: {  	[tilespmem:s6], [sflag:$0x1] =	stream.indirect.gather [hbm4b:s2+s5], $0x80, s28, s5, $0xb8;
	[tilespmem:$0x1A900] =	vst v63  }
0x88: {  	_ =	swait.ge [sflag:s7], $0xC800  }
0x89: {  	[sflag:s7] =	ssyncset.done $0x0  }
0x8a: {  	s29 =	sadd.s32 $0x15E00, s31;
	[sflag:s7] =	ssyncadd.s32 $0xFFFF3800  }
0x8b: {  	[hbm4b:s29+s3] =	stream.linear.scatter [tilespmem:s6], [sflag:$0x3], $0xC800, $0x38;
	[tilespmem:$0x1A900] =	vst v63  }
0x8c: {  	_ =	swait.ge [sflag:s12], $0xC800  }
0x8d: {  	s1 =	ssub.s32 $0x2, s1;
	[sflag:s12] =	ssyncset.done $0x0  }
0x8e: {  	s30 =	simm.s32 $0x1770;
	s0 =	sshrl.u32 s1, $0x1;
	[sflag:s12] =	ssyncadd.s32 $0xFFFF3800  }
0x8f: {  	[tilespmem:s8], [sflag:$0x2] =	stream.indirect.gather [hbm4b:s2+s5], $0x80, s30, s5, $0xb8;
	[tilespmem:$0x1A900] =	vst v63  }
0x90: {  	s0 =	ssub.s32 s1, s0;
	_ =	swait.ge [sflag:s9], $0xC800  }
0x91: {  	s0 =	smax.u32 s0, $0x1;
	[sflag:s9] =	ssyncset.done $0x0  }
0x92: {  	p0 =	sne.s32 s0, $0x1;
	s31 =	sadd.s32 $0x17700, s31;
	[sflag:s9] =	ssyncadd.s32 $0xFFFF3800  }
0x93: {  	[hbm4b:s31+s3] =	stream.linear.scatter [tilespmem:s8], [sflag:$0x4], $0xC800, $0x38;
	[tilespmem:$0x1A900] =	vst v63  }
.Ltmp0:
0x94: {  	_ =	swait.ge [sflag:s10], $0xC800;
	(pc) =	sbr.rel @!p0 .LBB2_2-.Ltmp0, $4  }
0x95: {  	[sflag:s10] =	ssyncset.done $0x0  }
0x96: {  	[sflag:s10] =	ssyncadd.s32 $0xFFFF3800  }
0x97: {  	_ =	swait.ge [sflag:s12], $0xC800  }
0x98: {  	s1 =	sadd.s32 $0xFFFFFFFF, s0;
	[sflag:s12] =	ssyncset.done $0x0  }
.LBB2_1:
0x99: {  	s0 =	rddreg [dreg:$0x4];
	[sflag:s12] =	ssyncadd.s32 $0xFFFF3800  }
0x9a: {  	[tilespmem:s3], [sflag:$0x5] =	stream.linear.gather [hbm4b:s0+s3], $0x1900, $0x38;
	[tilespmem:$0x1A900] =	vst v63  }
0x9b: {  	_ =	swait.ge [sflag:s4], $0x1900  }
0x9c: {  	[sflag:s4] =	ssyncset.done $0x0  }
0x9d: {  	[sflag:s4] =	ssyncadd.s32 $0xFFFFE700  }
0x9e: {  	[tilespmem:s6], [sflag:$0x1] =	stream.indirect.gather [hbm4b:s2+s5], $0x80, s3, s5, $0xb8;
	[tilespmem:$0x1A900] =	vst v63  }
0x9f: {  	_ =	swait.ge [sflag:s7], $0xC800  }
0xa0: {  	[sflag:s7] =	ssyncset.done $0x0  }
0xa1: {  	s0 =	rddreg [dreg:$0x5];
	[sflag:s7] =	ssyncadd.s32 $0xFFFF3800  }
0xa2: {  	[hbm4b:s0+s3] =	stream.linear.scatter [tilespmem:s6], [sflag:$0x3], $0xC800, $0x38;
	[tilespmem:$0x1A900] =	vst v63  }
0xa3: {  	_ = 	snop  }
0xa4: {  	[tilespmem:s8], [sflag:$0x2] =	stream.indirect.gather [hbm4b:s2+s5], $0x80, s5, s5, $0xb8;
	[tilespmem:$0x1A900] =	vst v63  }
0xa5: {  	_ =	swait.ge [sflag:s9], $0xC800  }
0xa6: {  	[sflag:s9] =	ssyncset.done $0x0  }
0xa7: {  	s0 =	rddreg [dreg:$0x6];
	[sflag:s9] =	ssyncadd.s32 $0xFFFF3800  }
0xa8: {  	[hbm4b:s0+s3] =	stream.linear.scatter [tilespmem:s8], [sflag:$0x4], $0xC800, $0x38;
	[tilespmem:$0x1A900] =	vst v63  }
0xa9: {  	_ =	swait.ge [sflag:s10], $0xC800  }
0xaa: {  	[sflag:s10] =	ssyncset.done $0x0  }
0xab: {  	[sflag:s10] =	ssyncadd.s32 $0xFFFF3800  }
0xac: {  	[tilespmem:s6], [sflag:$0x1] =	stream.indirect.gather [hbm4b:s2+s5], $0x80, s11, s5, $0xb8;
	[tilespmem:$0x1A900] =	vst v63  }
0xad: {  	_ =	swait.ge [sflag:s7], $0xC800  }
0xae: {  	[sflag:s7] =	ssyncset.done $0x0  }
0xaf: {  	s0 =	rddreg [dreg:$0x7];
	[sflag:s7] =	ssyncadd.s32 $0xFFFF3800  }
0xb0: {  	[hbm4b:s0+s3] =	stream.linear.scatter [tilespmem:s6], [sflag:$0x3], $0xC800, $0x38;
	[tilespmem:$0x1A900] =	vst v63  }
0xb1: {  	_ =	swait.ge [sflag:s12], $0xC800  }
0xb2: {  	[sflag:s12] =	ssyncset.done $0x0  }
0xb3: {  	[sflag:s12] =	ssyncadd.s32 $0xFFFF3800  }
0xb4: {  	[tilespmem:s8], [sflag:$0x2] =	stream.indirect.gather [hbm4b:s2+s5], $0x80, s13, s5, $0xb8;
	[tilespmem:$0x1A900] =	vst v63  }
0xb5: {  	_ =	swait.ge [sflag:s9], $0xC800  }
0xb6: {  	[sflag:s9] =	ssyncset.done $0x0  }
0xb7: {  	s0 =	rddreg [dreg:$0x8];
	[sflag:s9] =	ssyncadd.s32 $0xFFFF3800  }
0xb8: {  	[hbm4b:s0+s3] =	stream.linear.scatter [tilespmem:s8], [sflag:$0x4], $0xC800, $0x38;
	[tilespmem:$0x1A900] =	vst v63  }
0xb9: {  	_ =	swait.ge [sflag:s10], $0xC800  }
0xba: {  	[sflag:s10] =	ssyncset.done $0x0  }
0xbb: {  	[sflag:s10] =	ssyncadd.s32 $0xFFFF3800  }
0xbc: {  	[tilespmem:s6], [sflag:$0x1] =	stream.indirect.gather [hbm4b:s2+s5], $0x80, s14, s5, $0xb8;
	[tilespmem:$0x1A900] =	vst v63  }
0xbd: {  	_ =	swait.ge [sflag:s7], $0xC800  }
0xbe: {  	[sflag:s7] =	ssyncset.done $0x0  }
0xbf: {  	s0 =	rddreg [dreg:$0x9];
	[sflag:s7] =	ssyncadd.s32 $0xFFFF3800  }
0xc0: {  	[hbm4b:s0+s3] =	stream.linear.scatter [tilespmem:s6], [sflag:$0x3], $0xC800, $0x38;
	[tilespmem:$0x1A900] =	vst v63  }
0xc1: {  	_ =	swait.ge [sflag:s12], $0xC800  }
0xc2: {  	[sflag:s12] =	ssyncset.done $0x0  }
0xc3: {  	[sflag:s12] =	ssyncadd.s32 $0xFFFF3800  }
0xc4: {  	[tilespmem:s8], [sflag:$0x2] =	stream.indirect.gather [hbm4b:s2+s5], $0x80, s15, s5, $0xb8;
	[tilespmem:$0x1A900] =	vst v63  }
0xc5: {  	_ =	swait.ge [sflag:s9], $0xC800  }
0xc6: {  	[sflag:s9] =	ssyncset.done $0x0  }
0xc7: {  	s0 =	rddreg [dreg:$0xa];
	[sflag:s9] =	ssyncadd.s32 $0xFFFF3800  }
0xc8: {  	[hbm4b:s0+s3] =	stream.linear.scatter [tilespmem:s8], [sflag:$0x4], $0xC800, $0x38;
	[tilespmem:$0x1A900] =	vst v63  }
0xc9: {  	_ =	swait.ge [sflag:s10], $0xC800  }
0xca: {  	[sflag:s10] =	ssyncset.done $0x0  }
0xcb: {  	[sflag:s10] =	ssyncadd.s32 $0xFFFF3800  }
0xcc: {  	[tilespmem:s6], [sflag:$0x1] =	stream.indirect.gather [hbm4b:s2+s5], $0x80, s16, s5, $0xb8;
	[tilespmem:$0x1A900] =	vst v63  }
0xcd: {  	_ =	swait.ge [sflag:s7], $0xC800  }
0xce: {  	[sflag:s7] =	ssyncset.done $0x0  }
0xcf: {  	s0 =	rddreg [dreg:$0xb];
	[sflag:s7] =	ssyncadd.s32 $0xFFFF3800  }
0xd0: {  	[hbm4b:s0+s3] =	stream.linear.scatter [tilespmem:s6], [sflag:$0x3], $0xC800, $0x38;
	[tilespmem:$0x1A900] =	vst v63  }
0xd1: {  	_ =	swait.ge [sflag:s12], $0xC800  }
0xd2: {  	[sflag:s12] =	ssyncset.done $0x0  }
0xd3: {  	[sflag:s12] =	ssyncadd.s32 $0xFFFF3800  }
0xd4: {  	[tilespmem:s8], [sflag:$0x2] =	stream.indirect.gather [hbm4b:s2+s5], $0x80, s17, s5, $0xb8;
	[tilespmem:$0x1A900] =	vst v63  }
0xd5: {  	_ =	swait.ge [sflag:s9], $0xC800  }
0xd6: {  	[sflag:s9] =	ssyncset.done $0x0  }
0xd7: {  	s0 =	rddreg [dreg:$0xc];
	[sflag:s9] =	ssyncadd.s32 $0xFFFF3800  }
0xd8: {  	[hbm4b:s0+s3] =	stream.linear.scatter [tilespmem:s8], [sflag:$0x4], $0xC800, $0x38;
	[tilespmem:$0x1A900] =	vst v63  }
0xd9: {  	_ =	swait.ge [sflag:s10], $0xC800  }
0xda: {  	[sflag:s10] =	ssyncset.done $0x0  }
0xdb: {  	[sflag:s10] =	ssyncadd.s32 $0xFFFF3800  }
0xdc: {  	[tilespmem:s6], [sflag:$0x1] =	stream.indirect.gather [hbm4b:s2+s5], $0x80, s18, s5, $0xb8;
	[tilespmem:$0x1A900] =	vst v63  }
0xdd: {  	_ =	swait.ge [sflag:s7], $0xC800  }
0xde: {  	[sflag:s7] =	ssyncset.done $0x0  }
0xdf: {  	s0 =	rddreg [dreg:$0xd];
	[sflag:s7] =	ssyncadd.s32 $0xFFFF3800  }
0xe0: {  	[hbm4b:s0+s3] =	stream.linear.scatter [tilespmem:s6], [sflag:$0x3], $0xC800, $0x38;
	[tilespmem:$0x1A900] =	vst v63  }
0xe1: {  	_ =	swait.ge [sflag:s12], $0xC800  }
0xe2: {  	[sflag:s12] =	ssyncset.done $0x0  }
0xe3: {  	[sflag:s12] =	ssyncadd.s32 $0xFFFF3800  }
0xe4: {  	[tilespmem:s8], [sflag:$0x2] =	stream.indirect.gather [hbm4b:s2+s5], $0x80, s19, s5, $0xb8;
	[tilespmem:$0x1A900] =	vst v63  }
0xe5: {  	_ =	swait.ge [sflag:s9], $0xC800  }
0xe6: {  	[sflag:s9] =	ssyncset.done $0x0  }
0xe7: {  	s0 =	rddreg [dreg:$0xe];
	[sflag:s9] =	ssyncadd.s32 $0xFFFF3800  }
0xe8: {  	[hbm4b:s0+s3] =	stream.linear.scatter [tilespmem:s8], [sflag:$0x4], $0xC800, $0x38;
	[tilespmem:$0x1A900] =	vst v63  }
0xe9: {  	_ =	swait.ge [sflag:s10], $0xC800  }
0xea: {  	[sflag:s10] =	ssyncset.done $0x0  }
0xeb: {  	[sflag:s10] =	ssyncadd.s32 $0xFFFF3800  }
0xec: {  	[tilespmem:s6], [sflag:$0x1] =	stream.indirect.gather [hbm4b:s2+s5], $0x80, s20, s5, $0xb8;
	[tilespmem:$0x1A900] =	vst v63  }
0xed: {  	_ =	swait.ge [sflag:s7], $0xC800  }
0xee: {  	[sflag:s7] =	ssyncset.done $0x0  }
0xef: {  	s0 =	rddreg [dreg:$0xf];
	[sflag:s7] =	ssyncadd.s32 $0xFFFF3800  }
0xf0: {  	[hbm4b:s0+s3] =	stream.linear.scatter [tilespmem:s6], [sflag:$0x3], $0xC800, $0x38;
	[tilespmem:$0x1A900] =	vst v63  }
0xf1: {  	_ =	swait.ge [sflag:s12], $0xC800  }
0xf2: {  	[sflag:s12] =	ssyncset.done $0x0  }
0xf3: {  	[sflag:s12] =	ssyncadd.s32 $0xFFFF3800  }
0xf4: {  	[tilespmem:s8], [sflag:$0x2] =	stream.indirect.gather [hbm4b:s2+s5], $0x80, s21, s5, $0xb8;
	[tilespmem:$0x1A900] =	vst v63  }
0xf5: {  	_ =	swait.ge [sflag:s9], $0xC800  }
0xf6: {  	[sflag:s9] =	ssyncset.done $0x0  }
0xf7: {  	[sflag:s9] =	ssyncadd.s32 $0xFFFF3800  }
0xf8: {  	[hbm4b:s22+s3] =	stream.linear.scatter [tilespmem:s8], [sflag:$0x4], $0xC800, $0x38;
	[tilespmem:$0x1A900] =	vst v63  }
0xf9: {  	_ =	swait.ge [sflag:s10], $0xC800  }
0xfa: {  	[sflag:s10] =	ssyncset.done $0x0  }
0xfb: {  	[sflag:s10] =	ssyncadd.s32 $0xFFFF3800  }
0xfc: {  	[tilespmem:s6], [sflag:$0x1] =	stream.indirect.gather [hbm4b:s2+s5], $0x80, s23, s5, $0xb8;
	[tilespmem:$0x1A900] =	vst v63  }
0xfd: {  	_ =	swait.ge [sflag:s7], $0xC800  }
0xfe: {  	[sflag:s7] =	ssyncset.done $0x0  }
0xff: {  	[sflag:s7] =	ssyncadd.s32 $0xFFFF3800  }
0x100: {  	[hbm4b:s24+s3] =	stream.linear.scatter [tilespmem:s6], [sflag:$0x3], $0xC800, $0x38;
	[tilespmem:$0x1A900] =	vst v63  }
0x101: {  	_ =	swait.ge [sflag:s12], $0xC800  }
0x102: {  	[sflag:s12] =	ssyncset.done $0x0  }
0x103: {  	[sflag:s12] =	ssyncadd.s32 $0xFFFF3800  }
0x104: {  	[tilespmem:s8], [sflag:$0x2] =	stream.indirect.gather [hbm4b:s2+s5], $0x80, s25, s5, $0xb8;
	[tilespmem:$0x1A900] =	vst v63  }
0x105: {  	_ =	swait.ge [sflag:s9], $0xC800  }
0x106: {  	[sflag:s9] =	ssyncset.done $0x0  }
0x107: {  	[sflag:s9] =	ssyncadd.s32 $0xFFFF3800  }
0x108: {  	[hbm4b:s26+s3] =	stream.linear.scatter [tilespmem:s8], [sflag:$0x4], $0xC800, $0x38;
	[tilespmem:$0x1A900] =	vst v63  }
0x109: {  	_ =	swait.ge [sflag:s10], $0xC800  }
0x10a: {  	[sflag:s10] =	ssyncset.done $0x0  }
0x10b: {  	[sflag:s10] =	ssyncadd.s32 $0xFFFF3800  }
0x10c: {  	[tilespmem:s6], [sflag:$0x1] =	stream.indirect.gather [hbm4b:s2+s5], $0x80, s28, s5, $0xb8;
	[tilespmem:$0x1A900] =	vst v63  }
0x10d: {  	_ =	swait.ge [sflag:s7], $0xC800  }
0x10e: {  	[sflag:s7] =	ssyncset.done $0x0  }
0x10f: {  	[sflag:s7] =	ssyncadd.s32 $0xFFFF3800  }
0x110: {  	[hbm4b:s29+s3] =	stream.linear.scatter [tilespmem:s6], [sflag:$0x3], $0xC800, $0x38;
	[tilespmem:$0x1A900] =	vst v63  }
0x111: {  	_ =	swait.ge [sflag:s12], $0xC800  }
0x112: {  	[sflag:s12] =	ssyncset.done $0x0  }
0x113: {  	[sflag:s12] =	ssyncadd.s32 $0xFFFF3800  }
0x114: {  	[tilespmem:s8], [sflag:$0x2] =	stream.indirect.gather [hbm4b:s2+s5], $0x80, s30, s5, $0xb8;
	[tilespmem:$0x1A900] =	vst v63  }
0x115: {  	_ =	swait.ge [sflag:s9], $0xC800  }
0x116: {  	[sflag:s9] =	ssyncset.done $0x0  }
0x117: {  	p0 =	sne.s32 s1, $0x1;
	[sflag:s9] =	ssyncadd.s32 $0xFFFF3800  }
0x118: {  	[hbm4b:s31+s3] =	stream.linear.scatter [tilespmem:s8], [sflag:$0x4], $0xC800, $0x38;
	[tilespmem:$0x1A900] =	vst v63  }
.Ltmp1:
0x119: {  	_ =	swait.ge [sflag:s10], $0xC800;
	(pc) =	sbr.rel @p0 .LBB2_1-.Ltmp1, $4  }
0x11a: {  	[sflag:s10] =	ssyncset.done $0x0  }
0x11b: {  	[sflag:s10] =	ssyncadd.s32 $0xFFFF3800  }
0x11c: {  	_ =	swait.ge [sflag:s12], $0xC800  }
0x11d: {  	s1 =	sadd.s32 $0xFFFFFFFF, s1;
	[sflag:s12] =	ssyncset.done $0x0  }
.LBB2_2:
0x11e: {  	[sflag:s12] =	ssyncadd.s32 $0xFFFF3800  }
0x11f: {  	_ =	sfence.sel $0x180000  }
0x120: {  	[bflag:$0x0] =	sbarrier.arrive $0xFFFF  }
0x121: {  	_ =	strace $0x90000047  }
0x122: {  	s0 =	stileid.u32;
	[bflag:$0x2] =	sbarrier.arrive $0xFFFF  }
0x123: {  	p0 =	sne.s32 s0, $0x0;
	s0 =	rddreg [dreg:$0x3]  }
0x124: {  	s0 =	sadd.s32 @!p0 $0x100000, s0  }
0x125: {  	[sflag:s0] =	ssyncadd.tile.s32 @!p0 $0x1;
	_ =	shalt  }
.Lfunc_end2:
_tile_overlayer_lowered:
.L_overlay_start_2:
0x126: {  	(tag) =	ssettag $0x2  }
0x127: {  	s0 =	rddreg [dreg:$0x0];
	s2 =	stileid.u32  }
0x128: {  	s1 =	rddreg [dreg:$0x1];
	p0 =	sne.s32 s2, $0x0  }
0x129: {  	s3 =	rddreg [dreg:$0x2];
	[bflag:$0x3] =	sbarrier.arrive $0xFFFF;
	s2 =	simm.s32 @!p0 $0x1C05  }
0x12a: {  	[timem:s3], [sflag:s2] =	dma.local @!p0 [hbm:s0], s1  }
0x12b: {  	s0 =	simm.s32 @!p0 $0x5  }
0x12c: {  	_ =	swait.ge @!p0 [sflag:s0], s1  }
0x12d: {  	s1 =	ssub.s32 @!p0 $0x0, s1;
	[sflag:s0] =	ssyncset.done @!p0 $0x0  }
0x12e: {  	[sflag:s0] =	ssyncadd.s32 @!p0 s1  }
0x12f: {  	[bflag:$0x3] =	sbarrier.arrive $0xFFFF  }
0x130: {  	_ =	shalt  }

</sc_bundles>
